<compile_context>
chip_gen: v7x
topology: tpu7x:2x2x1
jax: 0.10.2.dev20260603
libtpu: 0.0.44.dev20260713+nightly
codegen_flags: <defaults>
</compile_context>

<pallas_src>
import functools

import jax
import jax.numpy as jnp
from jax import lax
from jax.experimental import pallas as pl
from jax.experimental.pallas import tpu as pltpu
from jax.experimental.pallas import tpu_sc as plsc

_B, _T, _D = 4096, 200, 64
_L = 16
_NDB = _D // 8
_NQ = 32 // _NDB
_TPQ = _T // _NQ
_G = _B // _L


def _compute_slab(t, tep_v, bt_v, obuf):
    tvec = tep_v[t, :]
    tv = [jnp.full((_L,), tvec[din]) for din in range(8)]

    @plsc.parallel_loop(0, _G, unroll=8)
    def _(g):
        s = g * _L
        for din in range(8):
            obuf[din, pl.ds(s, _L)] = bt_v[din, pl.ds(s, _L)] + tv[din]


def _sc_body(bt_hbm, tep_hbm, out_hbm, bt_v, tep_v, obuf0, obuf1, sem0, sem1):
    nc = 2
    wid = lax.axis_index("s") * nc + lax.axis_index("c")
    dblk = wid % _NDB
    t0 = (wid // _NDB) * _TPQ
    pltpu.sync_copy(bt_hbm.at[pl.ds(dblk * 8, 8), :], bt_v)
    pltpu.sync_copy(tep_hbm.at[dblk], tep_v)

    def pair(i, c):
        ta = t0 + 2 * i
        tb = ta + 1

        @pl.when(i > 0)
        def _():
            pltpu.make_async_copy(
                obuf0, out_hbm.at[t0, pl.ds(dblk * 8, 8), :], sem0).wait()

        _compute_slab(ta, tep_v, bt_v, obuf0)
        pltpu.async_copy(obuf0, out_hbm.at[ta, pl.ds(dblk * 8, 8), :], sem0)

        @pl.when(i > 0)
        def _():
            pltpu.make_async_copy(
                obuf1, out_hbm.at[t0, pl.ds(dblk * 8, 8), :], sem1).wait()

        _compute_slab(tb, tep_v, bt_v, obuf1)
        pltpu.async_copy(obuf1, out_hbm.at[tb, pl.ds(dblk * 8, 8), :], sem1)
        return c

    lax.fori_loop(0, _TPQ // 2, pair, 0)
    pltpu.make_async_copy(obuf0, out_hbm.at[0, pl.ds(0, 8), :], sem0).wait()
    pltpu.make_async_copy(obuf1, out_hbm.at[0, pl.ds(0, 8), :], sem1).wait()


_sc_kernel = functools.partial(
    pl.kernel,
    out_type=jax.ShapeDtypeStruct((_T, _D, _B), jnp.float32),
    mesh=plsc.VectorSubcoreMesh(core_axis_name="c", subcore_axis_name="s"),
    scratch_types=[
        pltpu.VMEM((8, _B), jnp.float32),
        pltpu.VMEM((_T, _L), jnp.float32),
        pltpu.VMEM((8, _B), jnp.float32),
        pltpu.VMEM((8, _B), jnp.float32),
        pltpu.SemaphoreType.DMA,
        pltpu.SemaphoreType.DMA,
    ],
    compiler_params=pltpu.CompilerParams(use_tc_tiling_on_sc=True),
)(_sc_body)


def kernel(x, batch_embed, token_embed):
    del x
    bt = batch_embed.T
    tep = token_embed.reshape(_T, _NDB, 8).transpose(1, 0, 2)
    tep = jnp.pad(tep, ((0, 0), (0, 0), (0, _L - 8)))
    z = _sc_kernel(bt, tep)
    return jnp.transpose(z, (2, 0, 1))

# --- scband reference (transcript-rebuilt; emitter-appended) ---
"""Pipeline reference for scband-bwembedding-28415503631146 (READ-ONLY COPY).

The authoritative reference and input builder live on the scoring server;
editing this copy changes nothing except your own understanding.
"""

import jax, jax.numpy as jnp
import numpy as np

D_MODEL = 64
BATCH_SIZE = 4096
NUM_TOKENS = 200

def setup_inputs(seed: int = 0) -> dict:
    key = jax.random.key(seed)
    k1, k2, k3 = jax.random.split(key, 3)
    x = jax.random.normal(k1, (BATCH_SIZE, 1, NUM_TOKENS), dtype=jnp.float32)
    batch_embed = jax.random.normal(k2, (BATCH_SIZE, D_MODEL), dtype=jnp.float32)
    token_embed = jax.random.normal(k3, (NUM_TOKENS, D_MODEL), dtype=jnp.float32)
    return {"x": x, "batch_embed": batch_embed, "token_embed": token_embed}

def reference(x, batch_embed, token_embed):
    B = x.shape[0]
    T = x.shape[2]
    batch_indices = jnp.broadcast_to(jnp.arange(B)[:, None], (B, T))
    token_indices = jnp.broadcast_to(jnp.arange(T)[None, :], (B, T))
    batch_embeddings = jnp.take(batch_embed, batch_indices, axis=0)
    token_embeddings = jnp.take(token_embed, token_indices, axis=0)
    return batch_embeddings + token_embeddings

if __name__ == "__main__":
    import jax
    _d = setup_inputs()
    print(jax.jit(kernel)(*tuple(_d.values())))

</pallas_src>

<mosaic_0001>
#map = affine_map<(d0, d1) -> (0, 0)>
#map1 = affine_map<(d0, d1) -> (0, 0, 0)>
module attributes {stable_mosaic.version = 14 : i64} {
  func.func @_sc_body(%arg0: i32, %arg1: i32, %arg2: memref<64x4096xf32, #tpu.memory_space<hbm>>, %arg3: memref<8x200x16xf32, #tpu.memory_space<hbm>>, %arg4: memref<200x64x4096xf32, #tpu.memory_space<hbm>>, %arg5: memref<8x4096xf32, #tpu.memory_space<vmem>>, %arg6: memref<200x16xf32, #tpu.memory_space<vmem>>, %arg7: memref<8x4096xf32, #tpu.memory_space<vmem>>, %arg8: memref<8x4096xf32, #tpu.memory_space<vmem>>, %arg9: memref<!tpu.dma_semaphore, #tpu.memory_space<semaphore_mem>>, %arg10: memref<!tpu.dma_semaphore, #tpu.memory_space<semaphore_mem>>) attributes {dimension_semantics = [#tpu.dimension_semantics<core_parallel>, #tpu.dimension_semantics<subcore_parallel>], iteration_bounds = array<i64: 2, 16>, scalar_prefetch = 0 : i64, scratch_operands = 6 : i64, tpu.core_type = #tpu.core_type<sc_vector_subcore>, window_params = [{transform_indices = #map}, {transform_indices = #map1}, {transform_indices = #map1}]} {
    %mul3A = arith.constant 2 : i32
    %mul3A_0 = arith.muli %arg1, %mul3A : i32
    %add3A = arith.addi %mul3A_0, %arg0 : i32
    %jit3A = arith.constant 8 : i32
    %eq3A = arith.constant 0 : i32
    %eq3A_1 = arith.cmpi eq, %jit3A, %eq3A : i32
    %jit3A_2 = arith.constant 1 : i32
    %select_n3A = arith.select %eq3A_1, %jit3A_2, %jit3A : i32
    %rem3A = arith.remsi %add3A, %select_n3A : i32
    %ne3A = arith.constant 0 : i32
    %ne3A_3 = arith.cmpi ne, %rem3A, %ne3A : i32
    %lt3A = arith.constant 0 : i32
    %lt3A_4 = arith.cmpi slt, %rem3A, %lt3A : i32
    %lt3A_5 = arith.constant 0 : i32
    %lt3A_6 = arith.cmpi slt, %select_n3A, %lt3A_5 : i32
    %ne3A_7 = arith.xori %lt3A_4, %lt3A_6 : i1
    %and3A = arith.andi %ne3A_7, %ne3A_3 : i1
    %add3A_8 = arith.addi %rem3A, %select_n3A : i32
    %select_n3A_9 = arith.select %and3A, %add3A_8, %rem3A : i32
    %jit3A_10 = arith.constant 8 : i32
    %div3A = arith.divsi %add3A, %jit3A_10 : i32
    %sign3A = arith.constant 0 : i32
    %sign3A_11 = arith.cmpi sgt, %add3A, %sign3A : i32
    %sign3A_12 = arith.extui %sign3A_11 : i1 to i32
    %sign3A_13 = arith.constant 0 : i32
    %sign3A_14 = arith.cmpi slt, %add3A, %sign3A_13 : i32
    %sign3A_15 = arith.extui %sign3A_14 : i1 to i32
    %sign3A_16 = arith.subi %sign3A_12, %sign3A_15 : i32
    %sign3A_17 = arith.constant 0 : i32
    %sign3A_18 = arith.cmpi sgt, %jit3A_10, %sign3A_17 : i32
    %sign3A_19 = arith.extui %sign3A_18 : i1 to i32
    %sign3A_20 = arith.constant 0 : i32
    %sign3A_21 = arith.cmpi slt, %jit3A_10, %sign3A_20 : i32
    %sign3A_22 = arith.extui %sign3A_21 : i1 to i32
    %sign3A_23 = arith.subi %sign3A_19, %sign3A_22 : i32
    %ne3A_24 = arith.cmpi ne, %sign3A_16, %sign3A_23 : i32
    %rem3A_25 = arith.remsi %add3A, %jit3A_10 : i32
    %ne3A_26 = arith.constant 0 : i32
    %ne3A_27 = arith.cmpi ne, %rem3A_25, %ne3A_26 : i32
    %and3A_28 = arith.andi %ne3A_24, %ne3A_27 : i1
    %sub3A = arith.constant 1 : i32
    %sub3A_29 = arith.subi %div3A, %sub3A : i32
    %select_n3A_30 = arith.select %and3A_28, %sub3A_29, %div3A : i32
    %mul3A_31 = arith.constant 50 : i32
    %mul3A_32 = arith.muli %select_n3A_30, %mul3A_31 : i32
    %mul3A_33 = arith.constant 8 : i32
    %mul3A_34 = arith.muli %select_n3A_9, %mul3A_33 : i32
    "tpu.region"() ({
      %run_scoped3A = tpu.sem_alloc : memref<!tpu.dma_semaphore, #tpu.memory_space<semaphore_mem>>
      %dma_start3A = arith.constant 0 : i32
      %dma_start3A_57 = tpu.memref_slice %arg2[%mul3A_34, %dma_start3A] : memref<64x4096xf32, #tpu.memory_space<hbm>> -> memref<8x4096xf32, #tpu.memory_space<hbm>>
      %dma_start3A_58 = arith.constant 0 : i32
      %dma_start3A_59 = tpu.memref_slice %arg2[%mul3A_34, %dma_start3A_58] : memref<64x4096xf32, #tpu.memory_space<hbm>> -> memref<8x4096xf32, #tpu.memory_space<hbm>>
      tpu.enqueue_dma source(%dma_start3A_59 : memref<8x4096xf32, #tpu.memory_space<hbm>>) target(%arg5 : memref<8x4096xf32, #tpu.memory_space<vmem>>) target_semaphore(%run_scoped3A : memref<!tpu.dma_semaphore, #tpu.memory_space<semaphore_mem>>)
      %dma_wait3A_60 = arith.constant 0 : i32
      %dma_wait3A_61 = tpu.memref_slice %arg2[%mul3A_34, %dma_wait3A_60] : memref<64x4096xf32, #tpu.memory_space<hbm>> -> memref<8x4096xf32, #tpu.memory_space<hbm>>
      %dma_wait3A_62 = arith.constant 0 : i32
      %dma_wait3A_63 = tpu.memref_slice %arg2[%mul3A_34, %dma_wait3A_62] : memref<64x4096xf32, #tpu.memory_space<hbm>> -> memref<8x4096xf32, #tpu.memory_space<hbm>>
      tpu.wait_dma2 semaphore(%run_scoped3A : memref<!tpu.dma_semaphore, #tpu.memory_space<semaphore_mem>>) src(%dma_wait3A_63 : memref<8x4096xf32, #tpu.memory_space<hbm>>) dst(%arg5 : memref<8x4096xf32, #tpu.memory_space<vmem>>)
      tpu.yield
    }) : () -> ()
    "tpu.region"() ({
      %run_scoped3A = tpu.sem_alloc : memref<!tpu.dma_semaphore, #tpu.memory_space<semaphore_mem>>
      %dma_start3A = arith.constant 0 : i32
      %dma_start3A_57 = arith.constant 0 : i32
      %dma_start3A_58 = tpu.memref_slice %arg3[%select_n3A_9, %dma_start3A, %dma_start3A_57] : memref<8x200x16xf32, #tpu.memory_space<hbm>> -> memref<1x200x16xf32, #tpu.memory_space<hbm>>
      %dma_start3A_59 = tpu.memref_squeeze %dma_start3A_58 : memref<1x200x16xf32, #tpu.memory_space<hbm>> -> memref<200x16xf32, #tpu.memory_space<hbm>>
      %dma_start3A_60 = arith.constant 0 : i32
      %dma_start3A_61 = arith.constant 0 : i32
      %dma_start3A_62 = tpu.memref_slice %arg3[%select_n3A_9, %dma_start3A_60, %dma_start3A_61] : memref<8x200x16xf32, #tpu.memory_space<hbm>> -> memref<1x200x16xf32, #tpu.memory_space<hbm>>
      %dma_start3A_63 = tpu.memref_squeeze %dma_start3A_62 : memref<1x200x16xf32, #tpu.memory_space<hbm>> -> memref<200x16xf32, #tpu.memory_space<hbm>>
      tpu.enqueue_dma source(%dma_start3A_63 : memref<200x16xf32, #tpu.memory_space<hbm>>) target(%arg6 : memref<200x16xf32, #tpu.memory_space<vmem>>) target_semaphore(%run_scoped3A : memref<!tpu.dma_semaphore, #tpu.memory_space<semaphore_mem>>)
      %dma_wait3A_64 = arith.constant 0 : i32
      %dma_wait3A_65 = arith.constant 0 : i32
      %dma_wait3A_66 = tpu.memref_slice %arg3[%select_n3A_9, %dma_wait3A_64, %dma_wait3A_65] : memref<8x200x16xf32, #tpu.memory_space<hbm>> -> memref<1x200x16xf32, #tpu.memory_space<hbm>>
      %dma_wait3A_67 = tpu.memref_squeeze %dma_wait3A_66 : memref<1x200x16xf32, #tpu.memory_space<hbm>> -> memref<200x16xf32, #tpu.memory_space<hbm>>
      %dma_wait3A_68 = arith.constant 0 : i32
      %dma_wait3A_69 = arith.constant 0 : i32
      %dma_wait3A_70 = tpu.memref_slice %arg3[%select_n3A_9, %dma_wait3A_68, %dma_wait3A_69] : memref<8x200x16xf32, #tpu.memory_space<hbm>> -> memref<1x200x16xf32, #tpu.memory_space<hbm>>
      %dma_wait3A_71 = tpu.memref_squeeze %dma_wait3A_70 : memref<1x200x16xf32, #tpu.memory_space<hbm>> -> memref<200x16xf32, #tpu.memory_space<hbm>>
      tpu.wait_dma2 semaphore(%run_scoped3A : memref<!tpu.dma_semaphore, #tpu.memory_space<semaphore_mem>>) src(%dma_wait3A_71 : memref<200x16xf32, #tpu.memory_space<hbm>>) dst(%arg6 : memref<200x16xf32, #tpu.memory_space<vmem>>)
      tpu.yield
    }) : () -> ()
    %scan3A = arith.constant 0 : i32
    %scan3A_35 = arith.constant 0 : i32
    %scan3A_36 = arith.constant 25 : i32
    %scan3A_37 = arith.addi %scan3A_35, %scan3A_36 : i32
    %scan3A_38 = arith.constant 1 : i32
    scf.for %scan3A_57 = %scan3A_35 to %scan3A_37 step %scan3A_38  : i32 {
      %mul3A_58 = arith.constant 2 : i32
      %mul3A_59 = arith.muli %mul3A_58, %scan3A_57 : i32
      %add3A_60 = arith.addi %mul3A_32, %mul3A_59 : i32
      %add3A_61 = arith.constant 1 : i32
      %add3A_62 = arith.addi %add3A_60, %add3A_61 : i32
      %gt3A = arith.constant 0 : i32
      %gt3A_63 = arith.cmpi sgt, %scan3A_57, %gt3A : i32
      %convert_element_type3A = arith.extui %gt3A_63 : i1 to i32
      %cond3A = arith.constant 0 : i32
      %cond3A_64 = arith.cmpi ne, %convert_element_type3A, %cond3A : i32
      scf.if %cond3A_64 {
        %mul3A_142 = arith.constant 8 : i32
        %mul3A_143 = arith.muli %select_n3A_9, %mul3A_142 : i32
        %dma_wait3A_144 = arith.constant 0 : i32
        %dma_wait3A_145 = tpu.memref_slice %arg4[%mul3A_32, %mul3A_143, %dma_wait3A_144] : memref<200x64x4096xf32, #tpu.memory_space<hbm>> -> memref<1x8x4096xf32, #tpu.memory_space<hbm>>
        %dma_wait3A_146 = tpu.memref_squeeze %dma_wait3A_145 : memref<1x8x4096xf32, #tpu.memory_space<hbm>> -> memref<8x4096xf32, #tpu.memory_space<hbm>>
        %dma_wait3A_147 = arith.constant 0 : i32
        %dma_wait3A_148 = tpu.memref_slice %arg4[%mul3A_32, %mul3A_143, %dma_wait3A_147] : memref<200x64x4096xf32, #tpu.memory_space<hbm>> -> memref<1x8x4096xf32, #tpu.memory_space<hbm>>
        %dma_wait3A_149 = tpu.memref_squeeze %dma_wait3A_148 : memref<1x8x4096xf32, #tpu.memory_space<hbm>> -> memref<8x4096xf32, #tpu.memory_space<hbm>>
        tpu.wait_dma2 semaphore(%arg9 : memref<!tpu.dma_semaphore, #tpu.memory_space<semaphore_mem>>) src(%arg7 : memref<8x4096xf32, #tpu.memory_space<vmem>>) dst(%dma_wait3A_149 : memref<8x4096xf32, #tpu.memory_space<hbm>>)
      } else {
      }
      %get3A = arith.index_cast %add3A_60 : i32 to index
      %get3A_65 = arith.constant 0 : index
      %get3A_66 = tpu.vector_load %arg6[%get3A, %get3A_65] {strides = array<i32>} : memref<200x16xf32, #tpu.memory_space<vmem>>, vector<1x16xf32>,
      %get3A_67 = vector.shape_cast %get3A_66 : vector<1x16xf32> to vector<16xf32>
      %slice3A = vector.extract_strided_slice %get3A_67 {offsets = [0], sizes = [1], strides = [1]} : vector<16xf32> to vector<1xf32>
      %squeeze3A = vector.extract %slice3A[0] : f32 from vector<1xf32>
      %broadcast_in_dim3A = vector.broadcast %squeeze3A : f32 to vector<16xf32>
      %slice3A_68 = vector.extract_strided_slice %get3A_67 {offsets = [1], sizes = [1], strides = [1]} : vector<16xf32> to vector<1xf32>
      %squeeze3A_69 = vector.extract %slice3A_68[0] : f32 from vector<1xf32>
      %broadcast_in_dim3A_70 = vector.broadcast %squeeze3A_69 : f32 to vector<16xf32>
      %slice3A_71 = vector.extract_strided_slice %get3A_67 {offsets = [2], sizes = [1], strides = [1]} : vector<16xf32> to vector<1xf32>
      %squeeze3A_72 = vector.extract %slice3A_71[0] : f32 from vector<1xf32>
      %broadcast_in_dim3A_73 = vector.broadcast %squeeze3A_72 : f32 to vector<16xf32>
      %slice3A_74 = vector.extract_strided_slice %get3A_67 {offsets = [3], sizes = [1], strides = [1]} : vector<16xf32> to vector<1xf32>
      %squeeze3A_75 = vector.extract %slice3A_74[0] : f32 from vector<1xf32>
      %broadcast_in_dim3A_76 = vector.broadcast %squeeze3A_75 : f32 to vector<16xf32>
      %slice3A_77 = vector.extract_strided_slice %get3A_67 {offsets = [4], sizes = [1], strides = [1]} : vector<16xf32> to vector<1xf32>
      %squeeze3A_78 = vector.extract %slice3A_77[0] : f32 from vector<1xf32>
      %broadcast_in_dim3A_79 = vector.broadcast %squeeze3A_78 : f32 to vector<16xf32>
      %slice3A_80 = vector.extract_strided_slice %get3A_67 {offsets = [5], sizes = [1], strides = [1]} : vector<16xf32> to vector<1xf32>
      %squeeze3A_81 = vector.extract %slice3A_80[0] : f32 from vector<1xf32>
      %broadcast_in_dim3A_82 = vector.broadcast %squeeze3A_81 : f32 to vector<16xf32>
      %slice3A_83 = vector.extract_strided_slice %get3A_67 {offsets = [6], sizes = [1], strides = [1]} : vector<16xf32> to vector<1xf32>
      %squeeze3A_84 = vector.extract %slice3A_83[0] : f32 from vector<1xf32>
      %broadcast_in_dim3A_85 = vector.broadcast %squeeze3A_84 : f32 to vector<16xf32>
      %slice3A_86 = vector.extract_strided_slice %get3A_67 {offsets = [7], sizes = [1], strides = [1]} : vector<16xf32> to vector<1xf32>
      %squeeze3A_87 = vector.extract %slice3A_86[0] : f32 from vector<1xf32>
      %broadcast_in_dim3A_88 = vector.broadcast %squeeze3A_87 : f32 to vector<16xf32>
      %parallel_loop3A = arith.constant 0 : i32
      %parallel_loop3A_89 = arith.constant 256 : i32
      %parallel_loop3A_90 = arith.constant 1 : i32
      scf.for %parallel_loop3A_142 = %parallel_loop3A to %parallel_loop3A_89 step %parallel_loop3A_90  : i32 {
        %parallel_loop3A_143 = arith.constant 16 : i32
        %parallel_loop3A_144 = arith.muli %parallel_loop3A_142, %parallel_loop3A_143 : i32
        %parallel_loop3A_145 = arith.constant 0 : i32
        %parallel_loop3A_146 = arith.index_cast %parallel_loop3A_145 : i32 to index
        %parallel_loop3A_147 = arith.index_cast %parallel_loop3A_144 : i32 to index
        %parallel_loop3A_148 = tpu.vector_load %arg5[%parallel_loop3A_146, %parallel_loop3A_147] {strides = array<i32>} : memref<8x4096xf32, #tpu.memory_space<vmem>>, vector<1x16xf32>,
        %parallel_loop3A_149 = vector.shape_cast %parallel_loop3A_148 : vector<1x16xf32> to vector<16xf32>
        %parallel_loop3A_150 = arith.addf %parallel_loop3A_149, %broadcast_in_dim3A : vector<16xf32>
        %parallel_loop3A_151 = arith.constant 0 : i32
        %parallel_loop3A_152 = arith.index_cast %parallel_loop3A_151 : i32 to index
        %parallel_loop3A_153 = arith.index_cast %parallel_loop3A_144 : i32 to index
        %parallel_loop3A_154 = tpu.vector_load %arg7[%parallel_loop3A_152, %parallel_loop3A_153] {strides = array<i32>} : memref<8x4096xf32, #tpu.memory_space<vmem>>, vector<1x16xf32>,
        %parallel_loop3A_155 = vector.shape_cast %parallel_loop3A_154 : vector<1x16xf32> to vector<16xf32>
        %parallel_loop3A_156 = vector.shape_cast %parallel_loop3A_150 : vector<16xf32> to vector<1x16xf32>
        tpu.vector_store %arg7[%parallel_loop3A_152, %parallel_loop3A_153], %parallel_loop3A_156 {strides = array<i32>} : memref<8x4096xf32, #tpu.memory_space<vmem>>, vector<1x16xf32>,
        %parallel_loop3A_157 = arith.constant 1 : i32
        %parallel_loop3A_158 = arith.index_cast %parallel_loop3A_157 : i32 to index
        %parallel_loop3A_159 = arith.index_cast %parallel_loop3A_144 : i32 to index
        %parallel_loop3A_160 = tpu.vector_load %arg5[%parallel_loop3A_158, %parallel_loop3A_159] {strides = array<i32>} : memref<8x4096xf32, #tpu.memory_space<vmem>>, vector<1x16xf32>,
        %parallel_loop3A_161 = vector.shape_cast %parallel_loop3A_160 : vector<1x16xf32> to vector<16xf32>
        %parallel_loop3A_162 = arith.addf %parallel_loop3A_161, %broadcast_in_dim3A_70 : vector<16xf32>
        %parallel_loop3A_163 = arith.constant 1 : i32
        %parallel_loop3A_164 = arith.index_cast %parallel_loop3A_163 : i32 to index
        %parallel_loop3A_165 = arith.index_cast %parallel_loop3A_144 : i32 to index
        %parallel_loop3A_166 = tpu.vector_load %arg7[%parallel_loop3A_164, %parallel_loop3A_165] {strides = array<i32>} : memref<8x4096xf32, #tpu.memory_space<vmem>>, vector<1x16xf32>,
        %parallel_loop3A_167 = vector.shape_cast %parallel_loop3A_166 : vector<1x16xf32> to vector<16xf32>
        %parallel_loop3A_168 = vector.shape_cast %parallel_loop3A_162 : vector<16xf32> to vector<1x16xf32>
        tpu.vector_store %arg7[%parallel_loop3A_164, %parallel_loop3A_165], %parallel_loop3A_168 {strides = array<i32>} : memref<8x4096xf32, #tpu.memory_space<vmem>>, vector<1x16xf32>,
        %parallel_loop3A_169 = arith.constant 2 : i32
        %parallel_loop3A_170 = arith.index_cast %parallel_loop3A_169 : i32 to index
        %parallel_loop3A_171 = arith.index_cast %parallel_loop3A_144 : i32 to index
        %parallel_loop3A_172 = tpu.vector_load %arg5[%parallel_loop3A_170, %parallel_loop3A_171] {strides = array<i32>} : memref<8x4096xf32, #tpu.memory_space<vmem>>, vector<1x16xf32>,
        %parallel_loop3A_173 = vector.shape_cast %parallel_loop3A_172 : vector<1x16xf32> to vector<16xf32>
        %parallel_loop3A_174 = arith.addf %parallel_loop3A_173, %broadcast_in_dim3A_73 : vector<16xf32>
        %parallel_loop3A_175 = arith.constant 2 : i32
        %parallel_loop3A_176 = arith.index_cast %parallel_loop3A_175 : i32 to index
        %parallel_loop3A_177 = arith.index_cast %parallel_loop3A_144 : i32 to index
        %parallel_loop3A_178 = tpu.vector_load %arg7[%parallel_loop3A_176, %parallel_loop3A_177] {strides = array<i32>} : memref<8x4096xf32, #tpu.memory_space<vmem>>, vector<1x16xf32>,
        %parallel_loop3A_179 = vector.shape_cast %parallel_loop3A_178 : vector<1x16xf32> to vector<16xf32>
        %parallel_loop3A_180 = vector.shape_cast %parallel_loop3A_174 : vector<16xf32> to vector<1x16xf32>
        tpu.vector_store %arg7[%parallel_loop3A_176, %parallel_loop3A_177], %parallel_loop3A_180 {strides = array<i32>} : memref<8x4096xf32, #tpu.memory_space<vmem>>, vector<1x16xf32>,
        %parallel_loop3A_181 = arith.constant 3 : i32
        %parallel_loop3A_182 = arith.index_cast %parallel_loop3A_181 : i32 to index
        %parallel_loop3A_183 = arith.index_cast %parallel_loop3A_144 : i32 to index
        %parallel_loop3A_184 = tpu.vector_load %arg5[%parallel_loop3A_182, %parallel_loop3A_183] {strides = array<i32>} : memref<8x4096xf32, #tpu.memory_space<vmem>>, vector<1x16xf32>,
        %parallel_loop3A_185 = vector.shape_cast %parallel_loop3A_184 : vector<1x16xf32> to vector<16xf32>
        %parallel_loop3A_186 = arith.addf %parallel_loop3A_185, %broadcast_in_dim3A_76 : vector<16xf32>
        %parallel_loop3A_187 = arith.constant 3 : i32
        %parallel_loop3A_188 = arith.index_cast %parallel_loop3A_187 : i32 to index
        %parallel_loop3A_189 = arith.index_cast %parallel_loop3A_144 : i32 to index
        %parallel_loop3A_190 = tpu.vector_load %arg7[%parallel_loop3A_188, %parallel_loop3A_189] {strides = array<i32>} : memref<8x4096xf32, #tpu.memory_space<vmem>>, vector<1x16xf32>,
        %parallel_loop3A_191 = vector.shape_cast %parallel_loop3A_190 : vector<1x16xf32> to vector<16xf32>
        %parallel_loop3A_192 = vector.shape_cast %parallel_loop3A_186 : vector<16xf32> to vector<1x16xf32>
        tpu.vector_store %arg7[%parallel_loop3A_188, %parallel_loop3A_189], %parallel_loop3A_192 {strides = array<i32>} : memref<8x4096xf32, #tpu.memory_space<vmem>>, vector<1x16xf32>,
        %parallel_loop3A_193 = arith.constant 4 : i32
        %parallel_loop3A_194 = arith.index_cast %parallel_loop3A_193 : i32 to index
        %parallel_loop3A_195 = arith.index_cast %parallel_loop3A_144 : i32 to index
        %parallel_loop3A_196 = tpu.vector_load %arg5[%parallel_loop3A_194, %parallel_loop3A_195] {strides = array<i32>} : memref<8x4096xf32, #tpu.memory_space<vmem>>, vector<1x16xf32>,
        %parallel_loop3A_197 = vector.shape_cast %parallel_loop3A_196 : vector<1x16xf32> to vector<16xf32>
        %parallel_loop3A_198 = arith.addf %parallel_loop3A_197, %broadcast_in_dim3A_79 : vector<16xf32>
        %parallel_loop3A_199 = arith.constant 4 : i32
        %parallel_loop3A_200 = arith.index_cast %parallel_loop3A_199 : i32 to index
        %parallel_loop3A_201 = arith.index_cast %parallel_loop3A_144 : i32 to index
        %parallel_loop3A_202 = tpu.vector_load %arg7[%parallel_loop3A_200, %parallel_loop3A_201] {strides = array<i32>} : memref<8x4096xf32, #tpu.memory_space<vmem>>, vector<1x16xf32>,
        %parallel_loop3A_203 = vector.shape_cast %parallel_loop3A_202 : vector<1x16xf32> to vector<16xf32>
        %parallel_loop3A_204 = vector.shape_cast %parallel_loop3A_198 : vector<16xf32> to vector<1x16xf32>
        tpu.vector_store %arg7[%parallel_loop3A_200, %parallel_loop3A_201], %parallel_loop3A_204 {strides = array<i32>} : memref<8x4096xf32, #tpu.memory_space<vmem>>, vector<1x16xf32>,
        %parallel_loop3A_205 = arith.constant 5 : i32
        %parallel_loop3A_206 = arith.index_cast %parallel_loop3A_205 : i32 to index
        %parallel_loop3A_207 = arith.index_cast %parallel_loop3A_144 : i32 to index
        %parallel_loop3A_208 = tpu.vector_load %arg5[%parallel_loop3A_206, %parallel_loop3A_207] {strides = array<i32>} : memref<8x4096xf32, #tpu.memory_space<vmem>>, vector<1x16xf32>,
        %parallel_loop3A_209 = vector.shape_cast %parallel_loop3A_208 : vector<1x16xf32> to vector<16xf32>
        %parallel_loop3A_210 = arith.addf %parallel_loop3A_209, %broadcast_in_dim3A_82 : vector<16xf32>
        %parallel_loop3A_211 = arith.constant 5 : i32
        %parallel_loop3A_212 = arith.index_cast %parallel_loop3A_211 : i32 to index
        %parallel_loop3A_213 = arith.index_cast %parallel_loop3A_144 : i32 to index
        %parallel_loop3A_214 = tpu.vector_load %arg7[%parallel_loop3A_212, %parallel_loop3A_213] {strides = array<i32>} : memref<8x4096xf32, #tpu.memory_space<vmem>>, vector<1x16xf32>,
        %parallel_loop3A_215 = vector.shape_cast %parallel_loop3A_214 : vector<1x16xf32> to vector<16xf32>
        %parallel_loop3A_216 = vector.shape_cast %parallel_loop3A_210 : vector<16xf32> to vector<1x16xf32>
        tpu.vector_store %arg7[%parallel_loop3A_212, %parallel_loop3A_213], %parallel_loop3A_216 {strides = array<i32>} : memref<8x4096xf32, #tpu.memory_space<vmem>>, vector<1x16xf32>,
        %parallel_loop3A_217 = arith.constant 6 : i32
        %parallel_loop3A_218 = arith.index_cast %parallel_loop3A_217 : i32 to index
        %parallel_loop3A_219 = arith.index_cast %parallel_loop3A_144 : i32 to index
        %parallel_loop3A_220 = tpu.vector_load %arg5[%parallel_loop3A_218, %parallel_loop3A_219] {strides = array<i32>} : memref<8x4096xf32, #tpu.memory_space<vmem>>, vector<1x16xf32>,
        %parallel_loop3A_221 = vector.shape_cast %parallel_loop3A_220 : vector<1x16xf32> to vector<16xf32>
        %parallel_loop3A_222 = arith.addf %parallel_loop3A_221, %broadcast_in_dim3A_85 : vector<16xf32>
        %parallel_loop3A_223 = arith.constant 6 : i32
        %parallel_loop3A_224 = arith.index_cast %parallel_loop3A_223 : i32 to index
        %parallel_loop3A_225 = arith.index_cast %parallel_loop3A_144 : i32 to index
        %parallel_loop3A_226 = tpu.vector_load %arg7[%parallel_loop3A_224, %parallel_loop3A_225] {strides = array<i32>} : memref<8x4096xf32, #tpu.memory_space<vmem>>, vector<1x16xf32>,
        %parallel_loop3A_227 = vector.shape_cast %parallel_loop3A_226 : vector<1x16xf32> to vector<16xf32>
        %parallel_loop3A_228 = vector.shape_cast %parallel_loop3A_222 : vector<16xf32> to vector<1x16xf32>
        tpu.vector_store %arg7[%parallel_loop3A_224, %parallel_loop3A_225], %parallel_loop3A_228 {strides = array<i32>} : memref<8x4096xf32, #tpu.memory_space<vmem>>, vector<1x16xf32>,
        %parallel_loop3A_229 = arith.constant 7 : i32
        %parallel_loop3A_230 = arith.index_cast %parallel_loop3A_229 : i32 to index
        %parallel_loop3A_231 = arith.index_cast %parallel_loop3A_144 : i32 to index
        %parallel_loop3A_232 = tpu.vector_load %arg5[%parallel_loop3A_230, %parallel_loop3A_231] {strides = array<i32>} : memref<8x4096xf32, #tpu.memory_space<vmem>>, vector<1x16xf32>,
        %parallel_loop3A_233 = vector.shape_cast %parallel_loop3A_232 : vector<1x16xf32> to vector<16xf32>
        %parallel_loop3A_234 = arith.addf %parallel_loop3A_233, %broadcast_in_dim3A_88 : vector<16xf32>
        %parallel_loop3A_235 = arith.constant 7 : i32
        %parallel_loop3A_236 = arith.index_cast %parallel_loop3A_235 : i32 to index
        %parallel_loop3A_237 = arith.index_cast %parallel_loop3A_144 : i32 to index
        %parallel_loop3A_238 = tpu.vector_load %arg7[%parallel_loop3A_236, %parallel_loop3A_237] {strides = array<i32>} : memref<8x4096xf32, #tpu.memory_space<vmem>>, vector<1x16xf32>,
        %parallel_loop3A_239 = vector.shape_cast %parallel_loop3A_238 : vector<1x16xf32> to vector<16xf32>
        %parallel_loop3A_240 = vector.shape_cast %parallel_loop3A_234 : vector<16xf32> to vector<1x16xf32>
        tpu.vector_store %arg7[%parallel_loop3A_236, %parallel_loop3A_237], %parallel_loop3A_240 {strides = array<i32>} : memref<8x4096xf32, #tpu.memory_space<vmem>>, vector<1x16xf32>,
      } {sc.loop_unroll_factor = 8 : i64, sc.parallel_access}
      %mul3A_91 = arith.constant 8 : i32
      %mul3A_92 = arith.muli %select_n3A_9, %mul3A_91 : i32
      %dma_start3A = arith.constant 0 : i32
      %dma_start3A_93 = tpu.memref_slice %arg4[%add3A_60, %mul3A_92, %dma_start3A] : memref<200x64x4096xf32, #tpu.memory_space<hbm>> -> memref<1x8x4096xf32, #tpu.memory_space<hbm>>
      %dma_start3A_94 = tpu.memref_squeeze %dma_start3A_93 : memref<1x8x4096xf32, #tpu.memory_space<hbm>> -> memref<8x4096xf32, #tpu.memory_space<hbm>>
      %dma_start3A_95 = arith.constant 0 : i32
      %dma_start3A_96 = tpu.memref_slice %arg4[%add3A_60, %mul3A_92, %dma_start3A_95] : memref<200x64x4096xf32, #tpu.memory_space<hbm>> -> memref<1x8x4096xf32, #tpu.memory_space<hbm>>
      %dma_start3A_97 = tpu.memref_squeeze %dma_start3A_96 : memref<1x8x4096xf32, #tpu.memory_space<hbm>> -> memref<8x4096xf32, #tpu.memory_space<hbm>>
      tpu.enqueue_dma source(%arg7 : memref<8x4096xf32, #tpu.memory_space<vmem>>) target(%dma_start3A_97 : memref<8x4096xf32, #tpu.memory_space<hbm>>) target_semaphore(%arg9 : memref<!tpu.dma_semaphore, #tpu.memory_space<semaphore_mem>>)
      %gt3A_98 = arith.constant 0 : i32
      %gt3A_99 = arith.cmpi sgt, %scan3A_57, %gt3A_98 : i32
      %convert_element_type3A_100 = arith.extui %gt3A_99 : i1 to i32
      %cond3A_101 = arith.constant 0 : i32
      %cond3A_102 = arith.cmpi ne, %convert_element_type3A_100, %cond3A_101 : i32
      scf.if %cond3A_102 {
        %mul3A_142 = arith.constant 8 : i32
        %mul3A_143 = arith.muli %select_n3A_9, %mul3A_142 : i32
        %dma_wait3A_144 = arith.constant 0 : i32
        %dma_wait3A_145 = tpu.memref_slice %arg4[%mul3A_32, %mul3A_143, %dma_wait3A_144] : memref<200x64x4096xf32, #tpu.memory_space<hbm>> -> memref<1x8x4096xf32, #tpu.memory_space<hbm>>
        %dma_wait3A_146 = tpu.memref_squeeze %dma_wait3A_145 : memref<1x8x4096xf32, #tpu.memory_space<hbm>> -> memref<8x4096xf32, #tpu.memory_space<hbm>>
        %dma_wait3A_147 = arith.constant 0 : i32
        %dma_wait3A_148 = tpu.memref_slice %arg4[%mul3A_32, %mul3A_143, %dma_wait3A_147] : memref<200x64x4096xf32, #tpu.memory_space<hbm>> -> memref<1x8x4096xf32, #tpu.memory_space<hbm>>
        %dma_wait3A_149 = tpu.memref_squeeze %dma_wait3A_148 : memref<1x8x4096xf32, #tpu.memory_space<hbm>> -> memref<8x4096xf32, #tpu.memory_space<hbm>>
        tpu.wait_dma2 semaphore(%arg10 : memref<!tpu.dma_semaphore, #tpu.memory_space<semaphore_mem>>) src(%arg8 : memref<8x4096xf32, #tpu.memory_space<vmem>>) dst(%dma_wait3A_149 : memref<8x4096xf32, #tpu.memory_space<hbm>>)
      } else {
      }
      %get3A_103 = arith.index_cast %add3A_62 : i32 to index
      %get3A_104 = arith.constant 0 : index
      %get3A_105 = tpu.vector_load %arg6[%get3A_103, %get3A_104] {strides = array<i32>} : memref<200x16xf32, #tpu.memory_space<vmem>>, vector<1x16xf32>,
      %get3A_106 = vector.shape_cast %get3A_105 : vector<1x16xf32> to vector<16xf32>
      %slice3A_107 = vector.extract_strided_slice %get3A_106 {offsets = [0], sizes = [1], strides = [1]} : vector<16xf32> to vector<1xf32>
      %squeeze3A_108 = vector.extract %slice3A_107[0] : f32 from vector<1xf32>
      %broadcast_in_dim3A_109 = vector.broadcast %squeeze3A_108 : f32 to vector<16xf32>
      %slice3A_110 = vector.extract_strided_slice %get3A_106 {offsets = [1], sizes = [1], strides = [1]} : vector<16xf32> to vector<1xf32>
      %squeeze3A_111 = vector.extract %slice3A_110[0] : f32 from vector<1xf32>
      %broadcast_in_dim3A_112 = vector.broadcast %squeeze3A_111 : f32 to vector<16xf32>
      %slice3A_113 = vector.extract_strided_slice %get3A_106 {offsets = [2], sizes = [1], strides = [1]} : vector<16xf32> to vector<1xf32>
      %squeeze3A_114 = vector.extract %slice3A_113[0] : f32 from vector<1xf32>
      %broadcast_in_dim3A_115 = vector.broadcast %squeeze3A_114 : f32 to vector<16xf32>
      %slice3A_116 = vector.extract_strided_slice %get3A_106 {offsets = [3], sizes = [1], strides = [1]} : vector<16xf32> to vector<1xf32>
      %squeeze3A_117 = vector.extract %slice3A_116[0] : f32 from vector<1xf32>
      %broadcast_in_dim3A_118 = vector.broadcast %squeeze3A_117 : f32 to vector<16xf32>
      %slice3A_119 = vector.extract_strided_slice %get3A_106 {offsets = [4], sizes = [1], strides = [1]} : vector<16xf32> to vector<1xf32>
      %squeeze3A_120 = vector.extract %slice3A_119[0] : f32 from vector<1xf32>
      %broadcast_in_dim3A_121 = vector.broadcast %squeeze3A_120 : f32 to vector<16xf32>
      %slice3A_122 = vector.extract_strided_slice %get3A_106 {offsets = [5], sizes = [1], strides = [1]} : vector<16xf32> to vector<1xf32>
      %squeeze3A_123 = vector.extract %slice3A_122[0] : f32 from vector<1xf32>
      %broadcast_in_dim3A_124 = vector.broadcast %squeeze3A_123 : f32 to vector<16xf32>
      %slice3A_125 = vector.extract_strided_slice %get3A_106 {offsets = [6], sizes = [1], strides = [1]} : vector<16xf32> to vector<1xf32>
      %squeeze3A_126 = vector.extract %slice3A_125[0] : f32 from vector<1xf32>
      %broadcast_in_dim3A_127 = vector.broadcast %squeeze3A_126 : f32 to vector<16xf32>
      %slice3A_128 = vector.extract_strided_slice %get3A_106 {offsets = [7], sizes = [1], strides = [1]} : vector<16xf32> to vector<1xf32>
      %squeeze3A_129 = vector.extract %slice3A_128[0] : f32 from vector<1xf32>
      %broadcast_in_dim3A_130 = vector.broadcast %squeeze3A_129 : f32 to vector<16xf32>
      %parallel_loop3A_131 = arith.constant 0 : i32
      %parallel_loop3A_132 = arith.constant 256 : i32
      %parallel_loop3A_133 = arith.constant 1 : i32
      scf.for %parallel_loop3A_142 = %parallel_loop3A_131 to %parallel_loop3A_132 step %parallel_loop3A_133  : i32 {
        %parallel_loop3A_143 = arith.constant 16 : i32
        %parallel_loop3A_144 = arith.muli %parallel_loop3A_142, %parallel_loop3A_143 : i32
        %parallel_loop3A_145 = arith.constant 0 : i32
        %parallel_loop3A_146 = arith.index_cast %parallel_loop3A_145 : i32 to index
        %parallel_loop3A_147 = arith.index_cast %parallel_loop3A_144 : i32 to index
        %parallel_loop3A_148 = tpu.vector_load %arg5[%parallel_loop3A_146, %parallel_loop3A_147] {strides = array<i32>} : memref<8x4096xf32, #tpu.memory_space<vmem>>, vector<1x16xf32>,
        %parallel_loop3A_149 = vector.shape_cast %parallel_loop3A_148 : vector<1x16xf32> to vector<16xf32>
        %parallel_loop3A_150 = arith.addf %parallel_loop3A_149, %broadcast_in_dim3A_109 : vector<16xf32>
        %parallel_loop3A_151 = arith.constant 0 : i32
        %parallel_loop3A_152 = arith.index_cast %parallel_loop3A_151 : i32 to index
        %parallel_loop3A_153 = arith.index_cast %parallel_loop3A_144 : i32 to index
        %parallel_loop3A_154 = tpu.vector_load %arg8[%parallel_loop3A_152, %parallel_loop3A_153] {strides = array<i32>} : memref<8x4096xf32, #tpu.memory_space<vmem>>, vector<1x16xf32>,
        %parallel_loop3A_155 = vector.shape_cast %parallel_loop3A_154 : vector<1x16xf32> to vector<16xf32>
        %parallel_loop3A_156 = vector.shape_cast %parallel_loop3A_150 : vector<16xf32> to vector<1x16xf32>
        tpu.vector_store %arg8[%parallel_loop3A_152, %parallel_loop3A_153], %parallel_loop3A_156 {strides = array<i32>} : memref<8x4096xf32, #tpu.memory_space<vmem>>, vector<1x16xf32>,
        %parallel_loop3A_157 = arith.constant 1 : i32
        %parallel_loop3A_158 = arith.index_cast %parallel_loop3A_157 : i32 to index
        %parallel_loop3A_159 = arith.index_cast %parallel_loop3A_144 : i32 to index
        %parallel_loop3A_160 = tpu.vector_load %arg5[%parallel_loop3A_158, %parallel_loop3A_159] {strides = array<i32>} : memref<8x4096xf32, #tpu.memory_space<vmem>>, vector<1x16xf32>,
        %parallel_loop3A_161 = vector.shape_cast %parallel_loop3A_160 : vector<1x16xf32> to vector<16xf32>
        %parallel_loop3A_162 = arith.addf %parallel_loop3A_161, %broadcast_in_dim3A_112 : vector<16xf32>
        %parallel_loop3A_163 = arith.constant 1 : i32
        %parallel_loop3A_164 = arith.index_cast %parallel_loop3A_163 : i32 to index
        %parallel_loop3A_165 = arith.index_cast %parallel_loop3A_144 : i32 to index
        %parallel_loop3A_166 = tpu.vector_load %arg8[%parallel_loop3A_164, %parallel_loop3A_165] {strides = array<i32>} : memref<8x4096xf32, #tpu.memory_space<vmem>>, vector<1x16xf32>,
        %parallel_loop3A_167 = vector.shape_cast %parallel_loop3A_166 : vector<1x16xf32> to vector<16xf32>
        %parallel_loop3A_168 = vector.shape_cast %parallel_loop3A_162 : vector<16xf32> to vector<1x16xf32>
        tpu.vector_store %arg8[%parallel_loop3A_164, %parallel_loop3A_165], %parallel_loop3A_168 {strides = array<i32>} : memref<8x4096xf32, #tpu.memory_space<vmem>>, vector<1x16xf32>,
        %parallel_loop3A_169 = arith.constant 2 : i32
        %parallel_loop3A_170 = arith.index_cast %parallel_loop3A_169 : i32 to index
        %parallel_loop3A_171 = arith.index_cast %parallel_loop3A_144 : i32 to index
        %parallel_loop3A_172 = tpu.vector_load %arg5[%parallel_loop3A_170, %parallel_loop3A_171] {strides = array<i32>} : memref<8x4096xf32, #tpu.memory_space<vmem>>, vector<1x16xf32>,
        %parallel_loop3A_173 = vector.shape_cast %parallel_loop3A_172 : vector<1x16xf32> to vector<16xf32>
        %parallel_loop3A_174 = arith.addf %parallel_loop3A_173, %broadcast_in_dim3A_115 : vector<16xf32>
        %parallel_loop3A_175 = arith.constant 2 : i32
        %parallel_loop3A_176 = arith.index_cast %parallel_loop3A_175 : i32 to index
        %parallel_loop3A_177 = arith.index_cast %parallel_loop3A_144 : i32 to index
        %parallel_loop3A_178 = tpu.vector_load %arg8[%parallel_loop3A_176, %parallel_loop3A_177] {strides = array<i32>} : memref<8x4096xf32, #tpu.memory_space<vmem>>, vector<1x16xf32>,
        %parallel_loop3A_179 = vector.shape_cast %parallel_loop3A_178 : vector<1x16xf32> to vector<16xf32>
        %parallel_loop3A_180 = vector.shape_cast %parallel_loop3A_174 : vector<16xf32> to vector<1x16xf32>
        tpu.vector_store %arg8[%parallel_loop3A_176, %parallel_loop3A_177], %parallel_loop3A_180 {strides = array<i32>} : memref<8x4096xf32, #tpu.memory_space<vmem>>, vector<1x16xf32>,
        %parallel_loop3A_181 = arith.constant 3 : i32
        %parallel_loop3A_182 = arith.index_cast %parallel_loop3A_181 : i32 to index
        %parallel_loop3A_183 = arith.index_cast %parallel_loop3A_144 : i32 to index
        %parallel_loop3A_184 = tpu.vector_load %arg5[%parallel_loop3A_182, %parallel_loop3A_183] {strides = array<i32>} : memref<8x4096xf32, #tpu.memory_space<vmem>>, vector<1x16xf32>,
        %parallel_loop3A_185 = vector.shape_cast %parallel_loop3A_184 : vector<1x16xf32> to vector<16xf32>
        %parallel_loop3A_186 = arith.addf %parallel_loop3A_185, %broadcast_in_dim3A_118 : vector<16xf32>
        %parallel_loop3A_187 = arith.constant 3 : i32
        %parallel_loop3A_188 = arith.index_cast %parallel_loop3A_187 : i32 to index
        %parallel_loop3A_189 = arith.index_cast %parallel_loop3A_144 : i32 to index
        %parallel_loop3A_190 = tpu.vector_load %arg8[%parallel_loop3A_188, %parallel_loop3A_189] {strides = array<i32>} : memref<8x4096xf32, #tpu.memory_space<vmem>>, vector<1x16xf32>,
        %parallel_loop3A_191 = vector.shape_cast %parallel_loop3A_190 : vector<1x16xf32> to vector<16xf32>
        %parallel_loop3A_192 = vector.shape_cast %parallel_loop3A_186 : vector<16xf32> to vector<1x16xf32>
        tpu.vector_store %arg8[%parallel_loop3A_188, %parallel_loop3A_189], %parallel_loop3A_192 {strides = array<i32>} : memref<8x4096xf32, #tpu.memory_space<vmem>>, vector<1x16xf32>,
        %parallel_loop3A_193 = arith.constant 4 : i32
        %parallel_loop3A_194 = arith.index_cast %parallel_loop3A_193 : i32 to index
        %parallel_loop3A_195 = arith.index_cast %parallel_loop3A_144 : i32 to index
        %parallel_loop3A_196 = tpu.vector_load %arg5[%parallel_loop3A_194, %parallel_loop3A_195] {strides = array<i32>} : memref<8x4096xf32, #tpu.memory_space<vmem>>, vector<1x16xf32>,
        %parallel_loop3A_197 = vector.shape_cast %parallel_loop3A_196 : vector<1x16xf32> to vector<16xf32>
        %parallel_loop3A_198 = arith.addf %parallel_loop3A_197, %broadcast_in_dim3A_121 : vector<16xf32>
        %parallel_loop3A_199 = arith.constant 4 : i32
        %parallel_loop3A_200 = arith.index_cast %parallel_loop3A_199 : i32 to index
        %parallel_loop3A_201 = arith.index_cast %parallel_loop3A_144 : i32 to index
        %parallel_loop3A_202 = tpu.vector_load %arg8[%parallel_loop3A_200, %parallel_loop3A_201] {strides = array<i32>} : memref<8x4096xf32, #tpu.memory_space<vmem>>, vector<1x16xf32>,
        %parallel_loop3A_203 = vector.shape_cast %parallel_loop3A_202 : vector<1x16xf32> to vector<16xf32>
        %parallel_loop3A_204 = vector.shape_cast %parallel_loop3A_198 : vector<16xf32> to vector<1x16xf32>
        tpu.vector_store %arg8[%parallel_loop3A_200, %parallel_loop3A_201], %parallel_loop3A_204 {strides = array<i32>} : memref<8x4096xf32, #tpu.memory_space<vmem>>, vector<1x16xf32>,
        %parallel_loop3A_205 = arith.constant 5 : i32
        %parallel_loop3A_206 = arith.index_cast %parallel_loop3A_205 : i32 to index
        %parallel_loop3A_207 = arith.index_cast %parallel_loop3A_144 : i32 to index
        %parallel_loop3A_208 = tpu.vector_load %arg5[%parallel_loop3A_206, %parallel_loop3A_207] {strides = array<i32>} : memref<8x4096xf32, #tpu.memory_space<vmem>>, vector<1x16xf32>,
        %parallel_loop3A_209 = vector.shape_cast %parallel_loop3A_208 : vector<1x16xf32> to vector<16xf32>
        %parallel_loop3A_210 = arith.addf %parallel_loop3A_209, %broadcast_in_dim3A_124 : vector<16xf32>
        %parallel_loop3A_211 = arith.constant 5 : i32
        %parallel_loop3A_212 = arith.index_cast %parallel_loop3A_211 : i32 to index
        %parallel_loop3A_213 = arith.index_cast %parallel_loop3A_144 : i32 to index
        %parallel_loop3A_214 = tpu.vector_load %arg8[%parallel_loop3A_212, %parallel_loop3A_213] {strides = array<i32>} : memref<8x4096xf32, #tpu.memory_space<vmem>>, vector<1x16xf32>,
        %parallel_loop3A_215 = vector.shape_cast %parallel_loop3A_214 : vector<1x16xf32> to vector<16xf32>
        %parallel_loop3A_216 = vector.shape_cast %parallel_loop3A_210 : vector<16xf32> to vector<1x16xf32>
        tpu.vector_store %arg8[%parallel_loop3A_212, %parallel_loop3A_213], %parallel_loop3A_216 {strides = array<i32>} : memref<8x4096xf32, #tpu.memory_space<vmem>>, vector<1x16xf32>,
        %parallel_loop3A_217 = arith.constant 6 : i32
        %parallel_loop3A_218 = arith.index_cast %parallel_loop3A_217 : i32 to index
        %parallel_loop3A_219 = arith.index_cast %parallel_loop3A_144 : i32 to index
        %parallel_loop3A_220 = tpu.vector_load %arg5[%parallel_loop3A_218, %parallel_loop3A_219] {strides = array<i32>} : memref<8x4096xf32, #tpu.memory_space<vmem>>, vector<1x16xf32>,
        %parallel_loop3A_221 = vector.shape_cast %parallel_loop3A_220 : vector<1x16xf32> to vector<16xf32>
        %parallel_loop3A_222 = arith.addf %parallel_loop3A_221, %broadcast_in_dim3A_127 : vector<16xf32>
        %parallel_loop3A_223 = arith.constant 6 : i32
        %parallel_loop3A_224 = arith.index_cast %parallel_loop3A_223 : i32 to index
        %parallel_loop3A_225 = arith.index_cast %parallel_loop3A_144 : i32 to index
        %parallel_loop3A_226 = tpu.vector_load %arg8[%parallel_loop3A_224, %parallel_loop3A_225] {strides = array<i32>} : memref<8x4096xf32, #tpu.memory_space<vmem>>, vector<1x16xf32>,
        %parallel_loop3A_227 = vector.shape_cast %parallel_loop3A_226 : vector<1x16xf32> to vector<16xf32>
        %parallel_loop3A_228 = vector.shape_cast %parallel_loop3A_222 : vector<16xf32> to vector<1x16xf32>
        tpu.vector_store %arg8[%parallel_loop3A_224, %parallel_loop3A_225], %parallel_loop3A_228 {strides = array<i32>} : memref<8x4096xf32, #tpu.memory_space<vmem>>, vector<1x16xf32>,
        %parallel_loop3A_229 = arith.constant 7 : i32
        %parallel_loop3A_230 = arith.index_cast %parallel_loop3A_229 : i32 to index
        %parallel_loop3A_231 = arith.index_cast %parallel_loop3A_144 : i32 to index
        %parallel_loop3A_232 = tpu.vector_load %arg5[%parallel_loop3A_230, %parallel_loop3A_231] {strides = array<i32>} : memref<8x4096xf32, #tpu.memory_space<vmem>>, vector<1x16xf32>,
        %parallel_loop3A_233 = vector.shape_cast %parallel_loop3A_232 : vector<1x16xf32> to vector<16xf32>
        %parallel_loop3A_234 = arith.addf %parallel_loop3A_233, %broadcast_in_dim3A_130 : vector<16xf32>
        %parallel_loop3A_235 = arith.constant 7 : i32
        %parallel_loop3A_236 = arith.index_cast %parallel_loop3A_235 : i32 to index
        %parallel_loop3A_237 = arith.index_cast %parallel_loop3A_144 : i32 to index
        %parallel_loop3A_238 = tpu.vector_load %arg8[%parallel_loop3A_236, %parallel_loop3A_237] {strides = array<i32>} : memref<8x4096xf32, #tpu.memory_space<vmem>>, vector<1x16xf32>,
        %parallel_loop3A_239 = vector.shape_cast %parallel_loop3A_238 : vector<1x16xf32> to vector<16xf32>
        %parallel_loop3A_240 = vector.shape_cast %parallel_loop3A_234 : vector<16xf32> to vector<1x16xf32>
        tpu.vector_store %arg8[%parallel_loop3A_236, %parallel_loop3A_237], %parallel_loop3A_240 {strides = array<i32>} : memref<8x4096xf32, #tpu.memory_space<vmem>>, vector<1x16xf32>,
      } {sc.loop_unroll_factor = 8 : i64, sc.parallel_access}
      %mul3A_134 = arith.constant 8 : i32
      %mul3A_135 = arith.muli %select_n3A_9, %mul3A_134 : i32
      %dma_start3A_136 = arith.constant 0 : i32
      %dma_start3A_137 = tpu.memref_slice %arg4[%add3A_62, %mul3A_135, %dma_start3A_136] : memref<200x64x4096xf32, #tpu.memory_space<hbm>> -> memref<1x8x4096xf32, #tpu.memory_space<hbm>>
      %dma_start3A_138 = tpu.memref_squeeze %dma_start3A_137 : memref<1x8x4096xf32, #tpu.memory_space<hbm>> -> memref<8x4096xf32, #tpu.memory_space<hbm>>
      %dma_start3A_139 = arith.constant 0 : i32
      %dma_start3A_140 = tpu.memref_slice %arg4[%add3A_62, %mul3A_135, %dma_start3A_139] : memref<200x64x4096xf32, #tpu.memory_space<hbm>> -> memref<1x8x4096xf32, #tpu.memory_space<hbm>>
      %dma_start3A_141 = tpu.memref_squeeze %dma_start3A_140 : memref<1x8x4096xf32, #tpu.memory_space<hbm>> -> memref<8x4096xf32, #tpu.memory_space<hbm>>
      tpu.enqueue_dma source(%arg8 : memref<8x4096xf32, #tpu.memory_space<vmem>>) target(%dma_start3A_141 : memref<8x4096xf32, #tpu.memory_space<hbm>>) target_semaphore(%arg10 : memref<!tpu.dma_semaphore, #tpu.memory_space<semaphore_mem>>)
    }
    %scan3A_39 = arith.constant 25 : i32
    %dma_wait3A = arith.constant 0 : i32
    %dma_wait3A_40 = arith.constant 0 : i32
    %dma_wait3A_41 = arith.constant 0 : i32
    %dma_wait3A_42 = tpu.memref_slice %arg4[%dma_wait3A, %dma_wait3A_40, %dma_wait3A_41] : memref<200x64x4096xf32, #tpu.memory_space<hbm>> -> memref<1x8x4096xf32, #tpu.memory_space<hbm>>
    %dma_wait3A_43 = tpu.memref_squeeze %dma_wait3A_42 : memref<1x8x4096xf32, #tpu.memory_space<hbm>> -> memref<8x4096xf32, #tpu.memory_space<hbm>>
    %dma_wait3A_44 = arith.constant 0 : i32
    %dma_wait3A_45 = arith.constant 0 : i32
    %dma_wait3A_46 = tpu.memref_slice %arg4[%dma_wait3A, %dma_wait3A_44, %dma_wait3A_45] : memref<200x64x4096xf32, #tpu.memory_space<hbm>> -> memref<1x8x4096xf32, #tpu.memory_space<hbm>>
    %dma_wait3A_47 = tpu.memref_squeeze %dma_wait3A_46 : memref<1x8x4096xf32, #tpu.memory_space<hbm>> -> memref<8x4096xf32, #tpu.memory_space<hbm>>
    tpu.wait_dma2 semaphore(%arg9 : memref<!tpu.dma_semaphore, #tpu.memory_space<semaphore_mem>>) src(%arg7 : memref<8x4096xf32, #tpu.memory_space<vmem>>) dst(%dma_wait3A_47 : memref<8x4096xf32, #tpu.memory_space<hbm>>)
    %dma_wait3A_48 = arith.constant 0 : i32
    %dma_wait3A_49 = arith.constant 0 : i32
    %dma_wait3A_50 = arith.constant 0 : i32
    %dma_wait3A_51 = tpu.memref_slice %arg4[%dma_wait3A_48, %dma_wait3A_49, %dma_wait3A_50] : memref<200x64x4096xf32, #tpu.memory_space<hbm>> -> memref<1x8x4096xf32, #tpu.memory_space<hbm>>
    %dma_wait3A_52 = tpu.memref_squeeze %dma_wait3A_51 : memref<1x8x4096xf32, #tpu.memory_space<hbm>> -> memref<8x4096xf32, #tpu.memory_space<hbm>>
    %dma_wait3A_53 = arith.constant 0 : i32
    %dma_wait3A_54 = arith.constant 0 : i32
    %dma_wait3A_55 = tpu.memref_slice %arg4[%dma_wait3A_48, %dma_wait3A_53, %dma_wait3A_54] : memref<200x64x4096xf32, #tpu.memory_space<hbm>> -> memref<1x8x4096xf32, #tpu.memory_space<hbm>>
    %dma_wait3A_56 = tpu.memref_squeeze %dma_wait3A_55 : memref<1x8x4096xf32, #tpu.memory_space<hbm>> -> memref<8x4096xf32, #tpu.memory_space<hbm>>
    tpu.wait_dma2 semaphore(%arg10 : memref<!tpu.dma_semaphore, #tpu.memory_space<semaphore_mem>>) src(%arg8 : memref<8x4096xf32, #tpu.memory_space<vmem>>) dst(%dma_wait3A_56 : memref<8x4096xf32, #tpu.memory_space<hbm>>)
    return
  }
}

</mosaic_0001>

<sc_bundles>
// kernel: kernel.3.cloned.1.call-start
scs
__scs_entry_jumppad:
0x0: {  	(pc) =	sbr.rel $0x88, $3  }
0x1: {  	(tag) =	ssettag $0x0;
	lr =	simm.s32 $0x1  }
0x2: {  	[smem:$0x3F9F] =	sst lr;
	_ =	strace $0xD0000000  }
0x3: {  	_ = 	snop  }
0x4: {  	_ = 	snop  }
0x5: {  	_ = 	snop  }
0x6: {  	_ = 	snop  }
0x7: {  	_ = 	snop  }
__scs_overlays_trampoline_lowered:
0x8: {  	[smem:$0x3FAE] =	sst s0  }
0x9: {  	[smem:$0x3FAF] =	sst s1  }
0xa: {  	[smem:$0x3FB0] =	sst s2  }
0xb: {  	[smem:$0x3FB1] =	sst s3  }
0xc: {  	[smem:$0x3FB2] =	sst s4  }
0xd: {  	[smem:$0x3FB3] =	sst s5  }
0xe: {  	[smem:$0x3FB4] =	sst s6  }
0xf: {  	[smem:$0x3FB5] =	sst s7  }
0x10: {  	[smem:$0x3FB6] =	sst s8  }
0x11: {  	[smem:$0x3FB7] =	sst s9;
	s0 =	simm.s32 @!p0 $0x0  }
0x12: {  	s1 =	sld [smem:$0x3F9D];
	s0 =	simm.s32 @p0 $0x1  }
0x13: {  	[smem:$0x3FB8] =	sst s0;
	s0 =	simm.s32 @!p1 $0x0  }
0x14: {  	s2 =	sld [smem:$0x3F9C];
	s0 =	simm.s32 @p1 $0x1  }
0x15: {  	[smem:$0x3FB9] =	sst s0;
	s0 =	simm.s32 @!p2 $0x0  }
0x16: {  	s3 =	sld [smem:$0x3FDB];
	s0 =	simm.s32 @p2 $0x1  }
0x17: {  	s4 =	simm.s32 $0x1BF5;
	[smem:$0x3FBB] =	sst s0  }
0x18: {  	s0 =	sld [smem:$0x3F9E];
	_ =	swait.ge [sflag:s4], $0x0  }
0x19: {  	s7 =	sld [smem:$0x3F9F]  }
0x1a: {  	s8 =	sadd.s32 $0xFFFFE003, lr  }
0x1b: {  	s9 =	sadd.s32 $0xFFFFFEF7, lr;
	s5 =	simm.s32 $0xFFFFFFFF;
	p2 =	slt.u32 s8, $0xFFFFF086  }
0x1c: {  	p1 =	slt.u32 s9, $0xF7A;
	s5 =	simm.s32 @!p2 $0x0  }
0x1d: {  	s5 =	simm.s32 @p1 $0x1;
	p0 =	seq.s32 s7, s2  }
0x1e: {  	s7 =	smul.u32 @!p0 $0xF7A, s2;
	p2 =	seq.s32 @!p0 s5, $0x0  }
0x1f: {  	s9 =	smul.u32 $0xF7A, s1;
	s8 =	simm.s32 @!p0 $0x1BF5;
	p2 =	por !p2, p0  }
0x20: {  	[sflag:s8] =	ssyncset.s32 @!p0 $0xFFFFF086;
	s6 =	sadd.s32 @!p0 s3, s7;
	s7 =	simm.s32 @!p0 $0x108  }
0x21: {  	s3 =	sadd.s32 s3, s9;
	s6 =	sadd.s32 @!p0 $0x88, s6;
	s7 =	simm.s32 @p2 $0x1082  }
0x22: {  	[simem:s7], [sflag:s8] =	dma.local @!p0 [hbm:s6], $0xF7A  }
0x23: {  	s9 =	sor.u32 $0xD0000000, s2;
	s6 =	simm.s32 $0x108;
	_ =	swait.ge @!p0 [sflag:s8], $0x0  }
0x24: {  	s3 =	sadd.s32 $0x88, s3;
	s6 =	simm.s32 @!p1 $0x1082;
	[sflag:s4] =	ssyncset.s32 $0xFFFFF086  }
0x25: {  	[simem:s6], [sflag:s4] =	dma.local [hbm:s3], $0xF7A  }
0x26: {  	[smem:$0x3F9F] =	sst s1;
	(tag) =	ssettag s2;
	_ =	strace s9  }
0x27: {  	s1 =	sld [smem:$0x3FAF]  }
0x28: {  	s2 =	sld [smem:$0x3FB0]  }
0x29: {  	s4 =	sld [smem:$0x3FB2]  }
0x2a: {  	p0 =	seq.s32 s5, $0x0;
	s5 =	sld [smem:$0x3FB3]  }
0x2b: {  	s6 =	sld [smem:$0x3FB4]  }
0x2c: {  	s7 =	sld [smem:$0x3FB5]  }
0x2d: {  	s3 =	simm.s32 $0x108;
	s8 =	sld [smem:$0x3FB6]  }
0x2e: {  	s3 =	simm.s32 @!p0 $0x1082;
	s9 =	sld [smem:$0x3FB7]  }
0x2f: {  	lr =	sadd.s32 s0, s3;
	s0 =	sld [smem:$0x3FAE]  }
0x30: {  	s3 =	sld [smem:$0x3FB1]  }
0x31: {  	[smem:$0x3FBA] =	sst s10  }
0x32: {  	s10 =	sld [smem:$0x3FB8];
	_ =	sdelay $0x3  }
0x33: {  	p0 =	seq.s32 s10, $0x1;
	s10 =	sld [smem:$0x3FBA];
	_ =	sdelay $0x3  }
0x34: {  	[smem:$0x3FBA] =	sst s10  }
0x35: {  	s10 =	sld [smem:$0x3FB9];
	_ =	sdelay $0x3  }
0x36: {  	p1 =	seq.s32 s10, $0x1;
	s10 =	sld [smem:$0x3FBA];
	_ =	sdelay $0x3  }
0x37: {  	[smem:$0x3FBA] =	sst s10  }
0x38: {  	s10 =	sld [smem:$0x3FBB]  }
0x39: {  	_ = 	snop;
	(pc) =	sbr.ind lr, $3  }
0x3a: {  	_ = 	snop  }
0x3b: {  	_ = 	snop  }
0x3c: {  	p2 =	seq.s32 s10, $0x1;
	s10 =	sld [smem:$0x3FBA]  }
0x3d: {  	_ =	shalt  }
0x3e: {  	_ =	shalt  }
0x3f: {  	_ =	shalt  }
0x40: {  	_ =	shalt  }
0x41: {  	_ =	shalt  }
0x42: {  	_ =	shalt  }
0x43: {  	_ =	shalt  }
0x44: {  	_ =	shalt  }
0x45: {  	_ =	shalt  }
0x46: {  	_ =	shalt  }
0x47: {  	_ =	shalt  }
0x48: {  	_ =	shalt  }
0x49: {  	_ =	shalt  }
0x4a: {  	_ =	shalt  }
0x4b: {  	_ =	shalt  }
0x4c: {  	_ =	shalt  }
0x4d: {  	_ =	shalt  }
0x4e: {  	_ =	shalt  }
0x4f: {  	_ =	shalt  }
0x50: {  	_ =	shalt  }
0x51: {  	_ =	shalt  }
0x52: {  	_ =	shalt  }
0x53: {  	_ =	shalt  }
0x54: {  	_ =	shalt  }
0x55: {  	_ =	shalt  }
0x56: {  	_ =	shalt  }
0x57: {  	_ =	shalt  }
0x58: {  	_ =	shalt  }
0x59: {  	_ =	shalt  }
0x5a: {  	_ =	shalt  }
0x5b: {  	_ =	shalt  }
0x5c: {  	_ =	shalt  }
0x5d: {  	_ =	shalt  }
0x5e: {  	_ =	shalt  }
0x5f: {  	_ =	shalt  }
0x60: {  	_ =	shalt  }
0x61: {  	_ =	shalt  }
0x62: {  	_ =	shalt  }
0x63: {  	_ =	shalt  }
0x64: {  	_ =	shalt  }
0x65: {  	_ =	shalt  }
0x66: {  	_ =	shalt  }
0x67: {  	_ =	shalt  }
0x68: {  	_ =	shalt  }
0x69: {  	_ =	shalt  }
0x6a: {  	_ =	shalt  }
0x6b: {  	_ =	shalt  }
0x6c: {  	_ =	shalt  }
0x6d: {  	_ =	shalt  }
0x6e: {  	_ =	shalt  }
0x6f: {  	_ =	shalt  }
0x70: {  	_ =	shalt  }
0x71: {  	_ =	shalt  }
0x72: {  	_ =	shalt  }
0x73: {  	_ =	shalt  }
0x74: {  	_ =	shalt  }
0x75: {  	_ =	shalt  }
0x76: {  	_ =	shalt  }
0x77: {  	_ =	shalt  }
0x78: {  	_ =	shalt  }
0x79: {  	_ =	shalt  }
0x7a: {  	_ =	shalt  }
0x7b: {  	_ =	shalt  }
0x7c: {  	_ =	shalt  }
0x7d: {  	_ =	shalt  }
0x7e: {  	_ =	shalt  }
0x7f: {  	_ =	shalt  }
0x80: {  	_ =	shalt  }
0x81: {  	_ =	shalt  }
0x82: {  	_ =	shalt  }
0x83: {  	_ =	shalt  }
0x84: {  	_ =	shalt  }
0x85: {  	_ =	shalt  }
0x86: {  	_ =	shalt  }
0x87: {  	_ =	shalt  }
.Lfunc_end0:
.L_simem_size_0:
called_computation_lowered:
.L_overlay_start_0:
0x88: {  	s2 =	sld [smem:$0x3FD9]  }
0x89: {  	s3 =	sld [smem:$0x3FFE];
	_ =	sdelay $0x1  }
0x8a: {  	s1 =	srdreg.scid  }
0x8b: {  	s0 =	sand.u32 $0x1, s1  }
0x8c: {  	s17 =	sshll.u32 s0, $0xA;
	s2 =	sadd.s32 s3, s2  }
0x8d: {  	s2 =	sadd.s32 s2, s17  }
0x8e: {  	[smem:$0x3FC6] =	sst s2  }
0x8f: {  	_ = 	snop  }
0x90: {  	s2 =	sld [smem:$0x3FC9]  }
0x91: {  	s18 =	sld [smem:$0x3FD0];
	(tm) =	ssettm $0x1  }
0x92: {  	s4 =	sld [smem:$0x3FFB];
	_ =	sdelay $0x3  }
0x93: {  	_ =	strace s4  }
0x94: {  	s4 =	sld [smem:$0x3FFC];
	_ =	sdelay $0x3  }
0x95: {  	_ =	strace s4  }
0x96: {  	s4 =	sld [smem:$0x3FFD];
	_ =	sdelay $0x3  }
0x97: {  	_ =	strace s4  }
0x98: {  	_ =	strace $0x8FFFFFFF  }
0x99: {  	s19 =	sld [smem:$0x3FDB];
	_ =	sdelay $0x1  }
0x9a: {  	s5 =	simm.s32 $_scs_section_size  }
0x9b: {  	s6 =	simm.s32 $_size__tile_overlayer_lowered;
	s7 =	simm.s32 $_tile_overlayer_lowered  }
0x9c: {  	s22 =	simm.s32 $0x1BFF;
	s21 =	sshll.u32 s7, $0x1;
	s4 =	sadd.s32 s5, s19  }
0x9d: {  	s8 =	simm.s32 $0x0;
	s20 =	sshll.u32 s6, $0x1;
	s6 =	sadd.s32 s21, s4  }
0x9e: {  	[timem:s8], [sflag:s22] =	dma.local [hbm:s6], s20  }
0x9f: {  	_ =	swait.ge [sflag:s22], s20  }
0xa0: {  	s5 =	ssub.s32 $0x0, s20;
	[sflag:s22] =	ssyncset.done $0x0  }
0xa1: {  	[sflag:s22] =	ssyncadd.s32 s5;
	_ =	sdelay $0x1  }
0xa2: {  	s23 =	simm.s32 $0x1B8B  }
0xa3: {  	_ =	swait.ge [sflag:s23], $0x1  }
0xa4: {  	[sflag:s23] =	ssyncset.done $0x0  }
0xa5: {  	s25 =	simm.s32 $0x1B8E;
	s24 =	sld [smem:$0x3FFE];
	[sflag:s23] =	ssyncadd.s32 $0xFFFFFFFF  }
0xa6: {  	s26 =	simm.s32 $execute0_lowered;
	[smem:$0x3FD2] =	sst s25  }
0xa7: {  	s6 =	sshll.u32 s26, $0x1;
	_ =	strace $0x80000046;
	[dreg:$0x1] =	wrdreg $0xFFFFFFFF  }
0xa8: {  	s28 =	simm.s32 $_size_execute0_lowered;
	s4 =	sadd.s32 s4, s6;
	[dreg:$0x0] =	wrdreg $0x0  }
0xa9: {  	s6 =	sshll.u32 s28, $0x1;
	[dreg:$0x2] =	wrdreg s4  }
0xaa: {  	[dreg:$0x3] =	wrdreg s6  }
0xab: {  	[dreg:$0x4] =	wrdreg $0xC0  }
0xac: {  	_ =	task [dreg:s8], $0x5FFFF  }
0xad: {  	[dreg:$0x1] =	wrdreg $0xFFFFFFFF  }
0xae: {  	[dreg:$0x0] =	wrdreg $0x60  }
0xaf: {  	[dreg:$0x2] =	wrdreg s2  }
0xb0: {  	[dreg:$0x3] =	wrdreg s24  }
0xb1: {  	[dreg:$0x4] =	wrdreg s18  }
0xb2: {  	[dreg:$0x5] =	wrdreg $0x9  }
0xb3: {  	_ =	task.clear_ibuf [dreg:s8], $0x6FFFF;
	_ =	strace $0x90000046  }
0xb4: {  	s29 =	simm.s32 $0x9;
	_ =	strace $0x80000048  }
0xb5: {  	_ =	swait.ge [sflag:s29], $0x1  }
0xb6: {  	[sflag:s29] =	ssyncadd.s32 $0xFFFFFFFF  }
0xb7: {  	_ =	strace $0x90000048  }
0xb8: {  	_ =	sfence  }
0xb9: {  	s30 =	sld [smem:$0x0];
	_ =	sdelay $0x2  }
0xba: {  	s31 =	sshll.u32 s1, $0xD;
	s1 =	sshrl.u32 s1, $0x2  }
0xbb: {  	s3 =	sand.u32 $0x4000, s31;
	s1 =	sadd.s32 s1, s30  }
0xbc: {  	s0 =	sor.u32 s3, s0;
	s1 =	sshll.u32 s1, $0x11  }
0xbd: {  	s0 =	sor.u32 s1, s0  }
0xbe: {  	s0 =	sadd.s32 $0x8F2B, s0  }
0xbf: {  	[sflag:s0] =	ssyncadd.remote.s32 $0x1  }
0xc0: {  	_ =	sfence.sel $0xFFFF  }
0xc1: {  	[dreg:$0x0] =	wrdreg $0xFFFFFFFF;
	(pc) =	sbr.abs _section_cstart, $3  }
0xc2: {  	[dreg:$0x1] =	wrdreg $0xFFFFFFFF  }
0xc3: {  	_ =	task.clear_ibuf [dreg:s8], $0x2FFFF;
	_ =	strace $0x9FFFFFFF  }
0xc4: {  	(tm) =	ssettm $0x7FFFFFFF  }
0xc5: {  	_ =	shalt  }
tec
execute0_lowered:
.L_overlay_start_1:
0x0: {  	(tag) =	ssettag $0x1  }
0x1: {  	s0 =	stileid.u32;
	s6 =	rddreg [dreg:$0x0]  }
0x2: {  	s1 =	srdreg.scid;
	s4 =	rddreg [dreg:$0x1];
	s3 =	simm.s32 $0x0  }
0x3: {  	s11 =	simm.s32 $0xE400;
	s12 =	simm.s32 $0x16400;
	s13 =	simm.s32 $0x1  }
0x4: {  	s14 =	simm.s32 $0x2;
	s5 =	sand.u32 $0x1, s1;
	s1 =	rddreg [dreg:$0x3]  }
0x5: {  	s15 =	simm.s32 $0x0;
	s2 =	sshll.u32 s0, $0x1;
	[smem:$0x7FF] =	sst s3  }
0x6: {  	s31 =	sshrl.u32 s0, $0x2;
	s29 =	sand.u32 $0x6, s2;
	s2 =	rddreg [dreg:$0x2]  }
0x7: {  	_ =	strace $0x80000047;
	s7 =	sor.u32 s5, s29;
	s5 =	ssub.s32 $0x2, s5  }
0x8: {  	s8 =	smul.u32 $0xC80, s7;
	s30 =	sshrl.u32 s5, $0x1;
	s10 =	sshll.u32 s7, $0xC  }
0x9: {  	s9 =	ssub.s32 s5, s30;
	s5 =	sshll.u32 s7, $0xF;
	s6 =	sadd.s32 s6, s10  }
0xa: {  	s10 =	simm.s32 $0x8000;
	s8 =	sadd.s32 s8, s4;
	s4 =	smul.u32 $0x32, s31  }
0xb: {  	s7 =	sadd.s32 $0x400, s8;
	s8 =	smax.u32 s9, $0x1;
	s9 =	simm.s32 $0x3  }
.LBB2_1:
0xc: {  	[tilespmem:s3], [sflag:$0x3] =	stream.linear.gather [hbm4b:s6+s3], $0x8000, $0x38;
	[tilespmem:$0x1E400] =	vst v63  }
0xd: {  	_ =	swait.ge [sflag:s9], $0x8000  }
0xe: {  	[sflag:s9] =	ssyncset.done $0x0  }
0xf: {  	[sflag:s9] =	ssyncadd.s32 $0xFFFF8000  }
0x10: {  	[tilespmem:s10], [sflag:$0x3] =	stream.linear.gather [hbm4b:s7+s3], $0x6400, $0x38;
	[tilespmem:$0x1E400] =	vst v63  }
0x11: {  	_ =	swait.ge [sflag:s9], $0x6400  }
0x12: {  	[sflag:s9] =	ssyncset.done $0x0  }
0x13: {  	s16 =	simm.s32 $0x0;
	[sflag:s9] =	ssyncadd.s32 $0xFFFF9C00  }
.LBB2_2:
0x14: {  	p0 =	seq.s32 s16, $0x0  }
0x15: {  	s17 =	sshll.u32 s16, $0x1;
	s19 =	simm.s32 @!p0 $0x1  }
0x16: {  	s18 =	sadd.s32 s4, s17;
	_ =	swait.ge @!p0 [sflag:s19], $0x8000  }
0x17: {  	s17 =	sshll.u32 s18, $0x7;
	[sflag:s19] =	ssyncset.done @!p0 $0x0  }
0x18: {  	s17 =	sand.u32 $0x3FFFFF80, s17;
	[sflag:s19] =	ssyncadd.s32 @!p0 $0xFFFF8000  }
0x19: {  	v7 =	vld [tilespmem:s17+$0x8000]  }
0x1a: {  	s21 =	simm.s32 $0x200  }
0x1b: {  	v1 =	vld [tilespmem:s21+$0xFFFFFE70]  }
0x1c: {  	v2 =	vld [tilespmem:s21+$0xFFFFFE10]  }
0x1d: {  	v3 =	vld [tilespmem:s21+$0xFFFFFE20]  }
0x1e: {  	v4 =	vld [tilespmem:s21+$0xFFFFFE30];
	v0 =	vbroadcast v7, $0x0  }
0x1f: {  	v5 =	vld [tilespmem:s21+$0xFFFFFE40]  }
0x20: {  	v6 =	vld [tilespmem:s21+$0xFFFFFE50];
	v1 =	vadd.f32 v1, v0  }
0x21: {  	s19 =	simm.s32 $0xE600;
	v8 =	vld [tilespmem:s21+$0xFFFFFE60];
	v2 =	vadd.f32 v2, v0  }
0x22: {  	v9 =	vld [tilespmem:s21+$0xFFFFFE00];
	v3 =	vadd.f32 v3, v0;
	[tilespmem:s19+$0xFFFFFE70] =	vst v1  }
0x23: {  	[tilespmem:s19+$0xFFFFFE10] =	vst v2;
	v1 =	vadd.f32 v4, v0;
	v2 =	vld [tilespmem:s21+$0xFFFFFEF0]  }
0x24: {  	[tilespmem:s19+$0xFFFFFE20] =	vst v3;
	v3 =	vadd.f32 v5, v0;
	v4 =	vld [tilespmem:s21+$0xFFFFFE90]  }
0x25: {  	v6 =	vadd.f32 v6, v0;
	v5 =	vld [tilespmem:s21+$0xFFFFFEA0];
	[tilespmem:s19+$0xFFFFFE30] =	vst v1  }
0x26: {  	v1 =	vbroadcast v7, $0x1;
	[tilespmem:s19+$0xFFFFFE40] =	vst v3;
	v3 =	vadd.f32 v8, v0;
	v10 =	vld [tilespmem:s21+$0xFFFFFEB0]  }
0x27: {  	[tilespmem:s19+$0xFFFFFE50] =	vst v6;
	v8 =	vadd.f32 v9, v0;
	v9 =	vld [tilespmem:s21+$0xFFFFFEC0]  }
0x28: {  	v6 =	vld [tilespmem:s21+$0xFFFFFED0];
	[tilespmem:s19+$0xFFFFFE60] =	vst v3;
	v2 =	vadd.f32 v2, v1  }
0x29: {  	[tilespmem:s19+$0xFFFFFE00] =	vst v8;
	v3 =	vadd.f32 v4, v1;
	v4 =	vld [tilespmem:s21+$0xFFFFFEE0]  }
0x2a: {  	v8 =	vld [tilespmem:s21+$0xFFFFFE80];
	v5 =	vadd.f32 v5, v1;
	[tilespmem:s19+$0xFFFFFEF0] =	vst v2  }
0x2b: {  	[tilespmem:s19+$0xFFFFFE90] =	vst v3;
	v2 =	vadd.f32 v10, v1;
	v3 =	vld [tilespmem:s21+$0xFFFFFF70]  }
0x2c: {  	[tilespmem:s19+$0xFFFFFEA0] =	vst v5;
	v5 =	vadd.f32 v9, v1;
	v10 =	vld [tilespmem:s21+$0xFFFFFF10]  }
0x2d: {  	v6 =	vadd.f32 v6, v1;
	v9 =	vld [tilespmem:s21+$0xFFFFFF20];
	[tilespmem:s19+$0xFFFFFEB0] =	vst v2  }
0x2e: {  	v2 =	vbroadcast v7, $0x2;
	[tilespmem:s19+$0xFFFFFEC0] =	vst v5;
	v11 =	vld [tilespmem:s21+$0xFFFFFF30];
	v4 =	vadd.f32 v4, v1  }
0x2f: {  	[tilespmem:s19+$0xFFFFFED0] =	vst v6;
	v5 =	vadd.f32 v8, v1;
	v8 =	vld [tilespmem:s21+$0xFFFFFF40]  }
0x30: {  	v6 =	vld [tilespmem:s21+$0xFFFFFF50];
	[tilespmem:s19+$0xFFFFFEE0] =	vst v4;
	v3 =	vadd.f32 v3, v2  }
0x31: {  	[tilespmem:s19+$0xFFFFFE80] =	vst v5;
	v4 =	vadd.f32 v10, v2;
	v5 =	vld [tilespmem:s21+$0xFFFFFF60]  }
0x32: {  	v10 =	vld [tilespmem:s21+$0xFFFFFF00];
	v9 =	vadd.f32 v9, v2;
	[tilespmem:s19+$0xFFFFFF70] =	vst v3  }
0x33: {  	[tilespmem:s19+$0xFFFFFF10] =	vst v4;
	v3 =	vadd.f32 v11, v2;
	v4 =	vld [tilespmem:s21+$0xFFFFFFF0]  }
0x34: {  	[tilespmem:s19+$0xFFFFFF20] =	vst v9;
	v8 =	vadd.f32 v8, v2;
	v11 =	vld [tilespmem:s21+$0xFFFFFF90]  }
0x35: {  	v6 =	vadd.f32 v6, v2;
	v9 =	vld [tilespmem:s21+$0xFFFFFFA0];
	[tilespmem:s19+$0xFFFFFF30] =	vst v3  }
0x36: {  	v3 =	vbroadcast v7, $0x3;
	[tilespmem:s19+$0xFFFFFF40] =	vst v8;
	v12 =	vld [tilespmem:s21+$0xFFFFFFB0];
	v5 =	vadd.f32 v5, v2  }
0x37: {  	[tilespmem:s19+$0xFFFFFF50] =	vst v6;
	v8 =	vadd.f32 v10, v2;
	v10 =	vld [tilespmem:s21+$0xFFFFFFC0]  }
0x38: {  	v6 =	vld [tilespmem:s21+$0xFFFFFFD0];
	[tilespmem:s19+$0xFFFFFF60] =	vst v5;
	v4 =	vadd.f32 v4, v3  }
0x39: {  	[tilespmem:s19+$0xFFFFFF00] =	vst v8;
	v5 =	vadd.f32 v11, v3;
	v8 =	vld [tilespmem:s21+$0xFFFFFFE0]  }
0x3a: {  	v11 =	vld [tilespmem:s21+$0xFFFFFF80];
	v9 =	vadd.f32 v9, v3;
	[tilespmem:s19+$0xFFFFFFF0] =	vst v4  }
0x3b: {  	[tilespmem:s19+$0xFFFFFF90] =	vst v5;
	v4 =	vadd.f32 v12, v3;
	v5 =	vld [tilespmem:s21+$0x70]  }
0x3c: {  	[tilespmem:s19+$0xFFFFFFA0] =	vst v9;
	v9 =	vadd.f32 v10, v3;
	v12 =	vld [tilespmem:s21+$0x10]  }
0x3d: {  	v6 =	vadd.f32 v6, v3;
	v10 =	vld [tilespmem:s21+$0x20];
	[tilespmem:s19+$0xFFFFFFB0] =	vst v4  }
0x3e: {  	v4 =	vbroadcast v7, $0x4;
	[tilespmem:s19+$0xFFFFFFC0] =	vst v9;
	v13 =	vld [tilespmem:s21+$0x30];
	v8 =	vadd.f32 v8, v3  }
0x3f: {  	[tilespmem:s19+$0xFFFFFFD0] =	vst v6;
	v9 =	vadd.f32 v11, v3;
	v11 =	vld [tilespmem:s21+$0x40]  }
0x40: {  	v6 =	vld [tilespmem:s21+$0x50];
	[tilespmem:s19+$0xFFFFFFE0] =	vst v8;
	v5 =	vadd.f32 v5, v4  }
0x41: {  	[tilespmem:s19+$0xFFFFFF80] =	vst v9;
	v8 =	vadd.f32 v12, v4;
	v9 =	vld [tilespmem:s21+$0x60]  }
0x42: {  	v12 =	vld [tilespmem:s21+$0x0];
	v10 =	vadd.f32 v10, v4;
	[tilespmem:s19+$0x70] =	vst v5  }
0x43: {  	[tilespmem:s19+$0x10] =	vst v8;
	v5 =	vadd.f32 v13, v4;
	v8 =	vld [tilespmem:s21+$0xF0]  }
0x44: {  	[tilespmem:s19+$0x20] =	vst v10;
	v10 =	vadd.f32 v11, v4;
	v13 =	vld [tilespmem:s21+$0x90]  }
0x45: {  	v6 =	vadd.f32 v6, v4;
	v11 =	vld [tilespmem:s21+$0xA0];
	[tilespmem:s19+$0x30] =	vst v5  }
0x46: {  	v5 =	vbroadcast v7, $0x5;
	[tilespmem:s19+$0x40] =	vst v10;
	v14 =	vld [tilespmem:s21+$0xB0];
	v9 =	vadd.f32 v9, v4  }
0x47: {  	[tilespmem:s19+$0x50] =	vst v6;
	v10 =	vadd.f32 v12, v4;
	v12 =	vld [tilespmem:s21+$0xC0]  }
0x48: {  	v6 =	vld [tilespmem:s21+$0xD0];
	[tilespmem:s19+$0x60] =	vst v9;
	v8 =	vadd.f32 v8, v5  }
0x49: {  	[tilespmem:s19+$0x0] =	vst v10;
	v9 =	vadd.f32 v13, v5;
	v10 =	vld [tilespmem:s21+$0xE0]  }
0x4a: {  	v13 =	vld [tilespmem:s21+$0x80];
	v11 =	vadd.f32 v11, v5;
	[tilespmem:s19+$0xF0] =	vst v8  }
0x4b: {  	[tilespmem:s19+$0x90] =	vst v9;
	v8 =	vadd.f32 v14, v5;
	v9 =	vld [tilespmem:s21+$0x170]  }
0x4c: {  	[tilespmem:s19+$0xA0] =	vst v11;
	v11 =	vadd.f32 v12, v5;
	v14 =	vld [tilespmem:s21+$0x110]  }
0x4d: {  	v12 =	vld [tilespmem:s21+$0x120];
	[tilespmem:s19+$0xB0] =	vst v8;
	v8 =	vadd.f32 v6, v5  }
0x4e: {  	v6 =	vbroadcast v7, $0x6;
	[tilespmem:s19+$0xC0] =	vst v11;
	v15 =	vld [tilespmem:s21+$0x130];
	v10 =	vadd.f32 v10, v5  }
0x4f: {  	v11 =	vadd.f32 v13, v5;
	v13 =	vld [tilespmem:s21+$0x140];
	[tilespmem:s19+$0xD0] =	vst v8  }
0x50: {  	v8 =	vld [tilespmem:s21+$0x150];
	[tilespmem:s19+$0xE0] =	vst v10;
	v9 =	vadd.f32 v9, v6  }
0x51: {  	[tilespmem:s19+$0x80] =	vst v11;
	v10 =	vadd.f32 v14, v6;
	v11 =	vld [tilespmem:s21+$0x160]  }
0x52: {  	v14 =	vld [tilespmem:s21+$0x100];
	v12 =	vadd.f32 v12, v6;
	[tilespmem:s19+$0x170] =	vst v9  }
0x53: {  	[tilespmem:s19+$0x110] =	vst v10;
	v9 =	vadd.f32 v15, v6;
	v15 =	vld [tilespmem:s21+$0x1F0]  }
0x54: {  	[tilespmem:s19+$0x120] =	vst v12;
	v10 =	vadd.f32 v13, v6;
	v16 =	vld [tilespmem:s21+$0x190]  }
0x55: {  	v13 =	vld [tilespmem:s21+$0x1A0];
	[tilespmem:s19+$0x130] =	vst v9;
	v9 =	vadd.f32 v8, v6  }
0x56: {  	v7 =	vbroadcast v7, $0x7;
	[tilespmem:s19+$0x140] =	vst v10;
	v8 =	vld [tilespmem:s21+$0x1B0];
	v11 =	vadd.f32 v11, v6  }
0x57: {  	v12 =	vadd.f32 v14, v6;
	v10 =	vld [tilespmem:s21+$0x1C0];
	[tilespmem:s19+$0x150] =	vst v9  }
0x58: {  	v9 =	vld [tilespmem:s21+$0x1D0];
	[tilespmem:s19+$0x160] =	vst v11;
	v15 =	vadd.f32 v15, v7  }
0x59: {  	[tilespmem:s19+$0x100] =	vst v12;
	v11 =	vld [tilespmem:s21+$0x1E0];
	v14 =	vadd.f32 v16, v7  }
0x5a: {  	s20 =	simm.s32 $0x0;
	s17 =	sor.u32 $0x1, s18;
	v12 =	vld [tilespmem:s21+$0x180];
	v13 =	vadd.f32 v13, v7;
	s21 =	simm.s32 $0x600;
	[tilespmem:s19+$0x1F0] =	vst v15  }
.LBB2_3:
0x5b: {  	v15 =	vld [tilespmem:s21+$0xFFFFFE70];
	s20 =	sadd.s32 $0x8, s20;
	[tilespmem:s19+$0x190] =	vst v14;
	v8 =	vadd.f32 v8, v7  }
0x5c: {  	v14 =	vld [tilespmem:s21+$0xFFFFFE10];
	p1 =	slt.u32 s20, $0xF8;
	[tilespmem:s19+$0x1A0] =	vst v13;
	v10 =	vadd.f32 v10, v7  }
0x5d: {  	v13 =	vld [tilespmem:s21+$0xFFFFFE20];
	[tilespmem:s19+$0x1B0] =	vst v8;
	v8 =	vadd.f32 v9, v7  }
0x5e: {  	v9 =	vld [tilespmem:s21+$0xFFFFFE30];
	[tilespmem:s19+$0x1C0] =	vst v10;
	v10 =	vadd.f32 v11, v7  }
0x5f: {  	v11 =	vld [tilespmem:s21+$0xFFFFFE40];
	v12 =	vadd.f32 v12, v7;
	[tilespmem:s19+$0x1D0] =	vst v8  }
0x60: {  	v8 =	vld [tilespmem:s21+$0xFFFFFE50];
	v15 =	vadd.f32 v15, v0;
	[tilespmem:s19+$0x1E0] =	vst v10  }
0x61: {  	v10 =	vadd.f32 v14, v0;
	v14 =	vld [tilespmem:s21+$0xFFFFFE60];
	[tilespmem:s19+$0x180] =	vst v12;
	s19 =	sadd.s32 $0x400, s19  }
0x62: {  	v12 =	vld [tilespmem:s21+$0xFFFFFE00];
	v13 =	vadd.f32 v13, v0;
	[tilespmem:s19+$0xFFFFFE70] =	vst v15  }
0x63: {  	[tilespmem:s19+$0xFFFFFE10] =	vst v10;
	v9 =	vadd.f32 v9, v0;
	v10 =	vld [tilespmem:s21+$0xFFFFFEF0]  }
0x64: {  	v15 =	vld [tilespmem:s21+$0xFFFFFE90];
	[tilespmem:s19+$0xFFFFFE20] =	vst v13;
	v11 =	vadd.f32 v11, v0  }
0x65: {  	v13 =	vld [tilespmem:s21+$0xFFFFFEA0];
	[tilespmem:s19+$0xFFFFFE30] =	vst v9;
	v8 =	vadd.f32 v8, v0  }
0x66: {  	v9 =	vld [tilespmem:s21+$0xFFFFFEB0];
	[tilespmem:s19+$0xFFFFFE40] =	vst v11;
	v11 =	vadd.f32 v14, v0  }
0x67: {  	v12 =	vadd.f32 v12, v0;
	v14 =	vld [tilespmem:s21+$0xFFFFFEC0];
	[tilespmem:s19+$0xFFFFFE50] =	vst v8  }
0x68: {  	v8 =	vld [tilespmem:s21+$0xFFFFFED0];
	[tilespmem:s19+$0xFFFFFE60] =	vst v11;
	v10 =	vadd.f32 v10, v1  }
0x69: {  	[tilespmem:s19+$0xFFFFFE00] =	vst v12;
	v11 =	vadd.f32 v15, v1;
	v12 =	vld [tilespmem:s21+$0xFFFFFEE0]  }
0x6a: {  	v15 =	vld [tilespmem:s21+$0xFFFFFE80];
	v13 =	vadd.f32 v13, v1;
	[tilespmem:s19+$0xFFFFFEF0] =	vst v10  }
0x6b: {  	[tilespmem:s19+$0xFFFFFE90] =	vst v11;
	v9 =	vadd.f32 v9, v1;
	v10 =	vld [tilespmem:s21+$0xFFFFFF70]  }
0x6c: {  	v11 =	vld [tilespmem:s21+$0xFFFFFF10];
	[tilespmem:s19+$0xFFFFFEA0] =	vst v13;
	v13 =	vadd.f32 v14, v1  }
0x6d: {  	v14 =	vld [tilespmem:s21+$0xFFFFFF20];
	[tilespmem:s19+$0xFFFFFEB0] =	vst v9;
	v8 =	vadd.f32 v8, v1  }
0x6e: {  	v9 =	vld [tilespmem:s21+$0xFFFFFF30];
	[tilespmem:s19+$0xFFFFFEC0] =	vst v13;
	v12 =	vadd.f32 v12, v1  }
0x6f: {  	v13 =	vadd.f32 v15, v1;
	v15 =	vld [tilespmem:s21+$0xFFFFFF40];
	[tilespmem:s19+$0xFFFFFED0] =	vst v8  }
0x70: {  	v8 =	vld [tilespmem:s21+$0xFFFFFF50];
	[tilespmem:s19+$0xFFFFFEE0] =	vst v12;
	v10 =	vadd.f32 v10, v2  }
0x71: {  	[tilespmem:s19+$0xFFFFFE80] =	vst v13;
	v11 =	vadd.f32 v11, v2;
	v12 =	vld [tilespmem:s21+$0xFFFFFF60]  }
0x72: {  	v13 =	vld [tilespmem:s21+$0xFFFFFF00];
	v14 =	vadd.f32 v14, v2;
	[tilespmem:s19+$0xFFFFFF70] =	vst v10  }
0x73: {  	[tilespmem:s19+$0xFFFFFF10] =	vst v11;
	v9 =	vadd.f32 v9, v2;
	v10 =	vld [tilespmem:s21+$0xFFFFFFF0]  }
0x74: {  	v11 =	vld [tilespmem:s21+$0xFFFFFF90];
	[tilespmem:s19+$0xFFFFFF20] =	vst v14;
	v14 =	vadd.f32 v15, v2  }
0x75: {  	v15 =	vld [tilespmem:s21+$0xFFFFFFA0];
	[tilespmem:s19+$0xFFFFFF30] =	vst v9;
	v8 =	vadd.f32 v8, v2  }
0x76: {  	v9 =	vld [tilespmem:s21+$0xFFFFFFB0];
	[tilespmem:s19+$0xFFFFFF40] =	vst v14;
	v12 =	vadd.f32 v12, v2  }
0x77: {  	v13 =	vadd.f32 v13, v2;
	v14 =	vld [tilespmem:s21+$0xFFFFFFC0];
	[tilespmem:s19+$0xFFFFFF50] =	vst v8  }
0x78: {  	v8 =	vld [tilespmem:s21+$0xFFFFFFD0];
	[tilespmem:s19+$0xFFFFFF60] =	vst v12;
	v10 =	vadd.f32 v10, v3  }
0x79: {  	[tilespmem:s19+$0xFFFFFF00] =	vst v13;
	v11 =	vadd.f32 v11, v3;
	v12 =	vld [tilespmem:s21+$0xFFFFFFE0]  }
0x7a: {  	v13 =	vld [tilespmem:s21+$0xFFFFFF80];
	v15 =	vadd.f32 v15, v3;
	[tilespmem:s19+$0xFFFFFFF0] =	vst v10  }
0x7b: {  	[tilespmem:s19+$0xFFFFFF90] =	vst v11;
	v9 =	vadd.f32 v9, v3;
	v10 =	vld [tilespmem:s21+$0x70]  }
0x7c: {  	v11 =	vld [tilespmem:s21+$0x10];
	[tilespmem:s19+$0xFFFFFFA0] =	vst v15;
	v14 =	vadd.f32 v14, v3  }
0x7d: {  	v15 =	vld [tilespmem:s21+$0x20];
	[tilespmem:s19+$0xFFFFFFB0] =	vst v9;
	v8 =	vadd.f32 v8, v3  }
0x7e: {  	v9 =	vld [tilespmem:s21+$0x30];
	[tilespmem:s19+$0xFFFFFFC0] =	vst v14;
	v12 =	vadd.f32 v12, v3  }
0x7f: {  	v13 =	vadd.f32 v13, v3;
	v14 =	vld [tilespmem:s21+$0x40];
	[tilespmem:s19+$0xFFFFFFD0] =	vst v8  }
0x80: {  	v8 =	vld [tilespmem:s21+$0x50];
	[tilespmem:s19+$0xFFFFFFE0] =	vst v12;
	v10 =	vadd.f32 v10, v4  }
0x81: {  	[tilespmem:s19+$0xFFFFFF80] =	vst v13;
	v11 =	vadd.f32 v11, v4;
	v12 =	vld [tilespmem:s21+$0x60]  }
0x82: {  	v13 =	vld [tilespmem:s21+$0x0];
	v15 =	vadd.f32 v15, v4;
	[tilespmem:s19+$0x70] =	vst v10  }
0x83: {  	[tilespmem:s19+$0x10] =	vst v11;
	v9 =	vadd.f32 v9, v4;
	v10 =	vld [tilespmem:s21+$0xF0]  }
0x84: {  	v11 =	vld [tilespmem:s21+$0x90];
	[tilespmem:s19+$0x20] =	vst v15;
	v14 =	vadd.f32 v14, v4  }
0x85: {  	v15 =	vld [tilespmem:s21+$0xA0];
	[tilespmem:s19+$0x30] =	vst v9;
	v8 =	vadd.f32 v8, v4  }
0x86: {  	v9 =	vld [tilespmem:s21+$0xB0];
	[tilespmem:s19+$0x40] =	vst v14;
	v12 =	vadd.f32 v12, v4  }
0x87: {  	v13 =	vadd.f32 v13, v4;
	v14 =	vld [tilespmem:s21+$0xC0];
	[tilespmem:s19+$0x50] =	vst v8  }
0x88: {  	v8 =	vld [tilespmem:s21+$0xD0];
	[tilespmem:s19+$0x60] =	vst v12;
	v10 =	vadd.f32 v10, v5  }
0x89: {  	[tilespmem:s19+$0x0] =	vst v13;
	v11 =	vadd.f32 v11, v5;
	v12 =	vld [tilespmem:s21+$0xE0]  }
0x8a: {  	v13 =	vld [tilespmem:s21+$0x80];
	v15 =	vadd.f32 v15, v5;
	[tilespmem:s19+$0xF0] =	vst v10  }
0x8b: {  	[tilespmem:s19+$0x90] =	vst v11;
	v9 =	vadd.f32 v9, v5;
	v10 =	vld [tilespmem:s21+$0x170]  }
0x8c: {  	v11 =	vld [tilespmem:s21+$0x110];
	[tilespmem:s19+$0xA0] =	vst v15;
	v14 =	vadd.f32 v14, v5  }
0x8d: {  	v15 =	vld [tilespmem:s21+$0x120];
	[tilespmem:s19+$0xB0] =	vst v9;
	v8 =	vadd.f32 v8, v5  }
0x8e: {  	v9 =	vld [tilespmem:s21+$0x130];
	[tilespmem:s19+$0xC0] =	vst v14;
	v12 =	vadd.f32 v12, v5  }
0x8f: {  	v13 =	vadd.f32 v13, v5;
	v14 =	vld [tilespmem:s21+$0x140];
	[tilespmem:s19+$0xD0] =	vst v8  }
0x90: {  	v8 =	vld [tilespmem:s21+$0x150];
	[tilespmem:s19+$0xE0] =	vst v12;
	v10 =	vadd.f32 v10, v6  }
0x91: {  	[tilespmem:s19+$0x80] =	vst v13;
	v11 =	vadd.f32 v11, v6;
	v12 =	vld [tilespmem:s21+$0x160]  }
0x92: {  	v13 =	vld [tilespmem:s21+$0x100];
	v15 =	vadd.f32 v15, v6;
	[tilespmem:s19+$0x170] =	vst v10  }
0x93: {  	[tilespmem:s19+$0x110] =	vst v11;
	v9 =	vadd.f32 v9, v6;
	v11 =	vld [tilespmem:s21+$0x1F0]  }
0x94: {  	v16 =	vld [tilespmem:s21+$0x190];
	[tilespmem:s19+$0x120] =	vst v15;
	v10 =	vadd.f32 v14, v6  }
0x95: {  	v15 =	vld [tilespmem:s21+$0x1A0];
	[tilespmem:s19+$0x130] =	vst v9;
	v9 =	vadd.f32 v8, v6  }
.Ltmp0:
0x96: {  	v8 =	vld [tilespmem:s21+$0x1B0];
	[tilespmem:s19+$0x140] =	vst v10;
	v12 =	vadd.f32 v12, v6;
	(pc) =	sbr.rel @p1 .LBB2_3-.Ltmp0, $4  }
0x97: {  	v13 =	vadd.f32 v13, v6;
	v10 =	vld [tilespmem:s21+$0x1C0];
	[tilespmem:s19+$0x150] =	vst v9  }
0x98: {  	v9 =	vld [tilespmem:s21+$0x1D0];
	[tilespmem:s19+$0x160] =	vst v12;
	v17 =	vadd.f32 v11, v7  }
0x99: {  	[tilespmem:s19+$0x100] =	vst v13;
	v14 =	vadd.f32 v16, v7;
	v11 =	vld [tilespmem:s21+$0x1E0]  }
0x9a: {  	v12 =	vld [tilespmem:s21+$0x180];
	v13 =	vadd.f32 v15, v7;
	[tilespmem:s19+$0x1F0] =	vst v17;
	s21 =	sadd.s32 $0x400, s21  }
0x9b: {  	[tilespmem:s19+$0x190] =	vst v14;
	v0 =	vadd.f32 v8, v7  }
0x9c: {  	[tilespmem:s19+$0x1A0] =	vst v13;
	v1 =	vadd.f32 v10, v7  }
0x9d: {  	[tilespmem:s19+$0x1B0] =	vst v0;
	v0 =	vadd.f32 v9, v7  }
0x9e: {  	s18 =	sshll.u32 s18, $0x12;
	[tilespmem:s19+$0x1C0] =	vst v1;
	v1 =	vadd.f32 v11, v7  }
0x9f: {  	s18 =	sor.u32 s5, s18;
	v2 =	vadd.f32 v12, v7;
	[tilespmem:s19+$0x1D0] =	vst v0  }
0xa0: {  	s18 =	sshrl.u32 s18, $0x3;
	[tilespmem:s19+$0x1E0] =	vst v1  }
0xa1: {  	s18 =	sadd.s32 s2, s18;
	[tilespmem:s19+$0x180] =	vst v2  }
0xa2: {  	[hbm4b:s18+s3] =	stream.linear.scatter [tilespmem:s11], [sflag:$0x1], $0x8000, $0x38;
	[tilespmem:$0x1E400] =	vst v63  }
0xa3: {  	s18 =	simm.s32 @!p0 $0x2  }
0xa4: {  	_ =	swait.ge @!p0 [sflag:s18], $0x8000  }
0xa5: {  	s30 =	sshll.u32 s17, $0x7;
	[sflag:s18] =	ssyncset.done @!p0 $0x0  }
0xa6: {  	s31 =	sand.u32 $0x3FFFFF80, s30;
	[sflag:s18] =	ssyncadd.s32 @!p0 $0xFFFF8000  }
0xa7: {  	v7 =	vld [tilespmem:s31+$0x8000]  }
0xa8: {  	s20 =	simm.s32 $0x200  }
0xa9: {  	v1 =	vld [tilespmem:s20+$0xFFFFFE70]  }
0xaa: {  	v2 =	vld [tilespmem:s20+$0xFFFFFE10]  }
0xab: {  	v3 =	vld [tilespmem:s20+$0xFFFFFE20]  }
0xac: {  	v4 =	vld [tilespmem:s20+$0xFFFFFE30];
	v0 =	vbroadcast v7, $0x0  }
0xad: {  	v5 =	vld [tilespmem:s20+$0xFFFFFE40]  }
0xae: {  	v6 =	vld [tilespmem:s20+$0xFFFFFE50];
	v1 =	vadd.f32 v1, v0  }
0xaf: {  	s18 =	simm.s32 $0x16600;
	v8 =	vld [tilespmem:s20+$0xFFFFFE60];
	v2 =	vadd.f32 v2, v0  }
0xb0: {  	v9 =	vld [tilespmem:s20+$0xFFFFFE00];
	v3 =	vadd.f32 v3, v0;
	[tilespmem:s18+$0xFFFFFE70] =	vst v1  }
0xb1: {  	[tilespmem:s18+$0xFFFFFE10] =	vst v2;
	v1 =	vadd.f32 v4, v0;
	v2 =	vld [tilespmem:s20+$0xFFFFFEF0]  }
0xb2: {  	[tilespmem:s18+$0xFFFFFE20] =	vst v3;
	v3 =	vadd.f32 v5, v0;
	v4 =	vld [tilespmem:s20+$0xFFFFFE90]  }
0xb3: {  	v6 =	vadd.f32 v6, v0;
	v5 =	vld [tilespmem:s20+$0xFFFFFEA0];
	[tilespmem:s18+$0xFFFFFE30] =	vst v1  }
0xb4: {  	v1 =	vbroadcast v7, $0x1;
	[tilespmem:s18+$0xFFFFFE40] =	vst v3;
	v3 =	vadd.f32 v8, v0;
	v10 =	vld [tilespmem:s20+$0xFFFFFEB0]  }
0xb5: {  	[tilespmem:s18+$0xFFFFFE50] =	vst v6;
	v8 =	vadd.f32 v9, v0;
	v9 =	vld [tilespmem:s20+$0xFFFFFEC0]  }
0xb6: {  	v6 =	vld [tilespmem:s20+$0xFFFFFED0];
	[tilespmem:s18+$0xFFFFFE60] =	vst v3;
	v2 =	vadd.f32 v2, v1  }
0xb7: {  	[tilespmem:s18+$0xFFFFFE00] =	vst v8;
	v3 =	vadd.f32 v4, v1;
	v4 =	vld [tilespmem:s20+$0xFFFFFEE0]  }
0xb8: {  	v8 =	vld [tilespmem:s20+$0xFFFFFE80];
	v5 =	vadd.f32 v5, v1;
	[tilespmem:s18+$0xFFFFFEF0] =	vst v2  }
0xb9: {  	[tilespmem:s18+$0xFFFFFE90] =	vst v3;
	v2 =	vadd.f32 v10, v1;
	v3 =	vld [tilespmem:s20+$0xFFFFFF70]  }
0xba: {  	[tilespmem:s18+$0xFFFFFEA0] =	vst v5;
	v5 =	vadd.f32 v9, v1;
	v10 =	vld [tilespmem:s20+$0xFFFFFF10]  }
0xbb: {  	v6 =	vadd.f32 v6, v1;
	v9 =	vld [tilespmem:s20+$0xFFFFFF20];
	[tilespmem:s18+$0xFFFFFEB0] =	vst v2  }
0xbc: {  	v2 =	vbroadcast v7, $0x2;
	[tilespmem:s18+$0xFFFFFEC0] =	vst v5;
	v11 =	vld [tilespmem:s20+$0xFFFFFF30];
	v4 =	vadd.f32 v4, v1  }
0xbd: {  	[tilespmem:s18+$0xFFFFFED0] =	vst v6;
	v5 =	vadd.f32 v8, v1;
	v8 =	vld [tilespmem:s20+$0xFFFFFF40]  }
0xbe: {  	v6 =	vld [tilespmem:s20+$0xFFFFFF50];
	[tilespmem:s18+$0xFFFFFEE0] =	vst v4;
	v3 =	vadd.f32 v3, v2  }
0xbf: {  	[tilespmem:s18+$0xFFFFFE80] =	vst v5;
	v4 =	vadd.f32 v10, v2;
	v5 =	vld [tilespmem:s20+$0xFFFFFF60]  }
0xc0: {  	v10 =	vld [tilespmem:s20+$0xFFFFFF00];
	v9 =	vadd.f32 v9, v2;
	[tilespmem:s18+$0xFFFFFF70] =	vst v3  }
0xc1: {  	[tilespmem:s18+$0xFFFFFF10] =	vst v4;
	v3 =	vadd.f32 v11, v2;
	v4 =	vld [tilespmem:s20+$0xFFFFFFF0]  }
0xc2: {  	[tilespmem:s18+$0xFFFFFF20] =	vst v9;
	v8 =	vadd.f32 v8, v2;
	v11 =	vld [tilespmem:s20+$0xFFFFFF90]  }
0xc3: {  	v6 =	vadd.f32 v6, v2;
	v9 =	vld [tilespmem:s20+$0xFFFFFFA0];
	[tilespmem:s18+$0xFFFFFF30] =	vst v3  }
0xc4: {  	v3 =	vbroadcast v7, $0x3;
	[tilespmem:s18+$0xFFFFFF40] =	vst v8;
	v12 =	vld [tilespmem:s20+$0xFFFFFFB0];
	v5 =	vadd.f32 v5, v2  }
0xc5: {  	[tilespmem:s18+$0xFFFFFF50] =	vst v6;
	v8 =	vadd.f32 v10, v2;
	v10 =	vld [tilespmem:s20+$0xFFFFFFC0]  }
0xc6: {  	v6 =	vld [tilespmem:s20+$0xFFFFFFD0];
	[tilespmem:s18+$0xFFFFFF60] =	vst v5;
	v4 =	vadd.f32 v4, v3  }
0xc7: {  	[tilespmem:s18+$0xFFFFFF00] =	vst v8;
	v5 =	vadd.f32 v11, v3;
	v8 =	vld [tilespmem:s20+$0xFFFFFFE0]  }
0xc8: {  	v11 =	vld [tilespmem:s20+$0xFFFFFF80];
	v9 =	vadd.f32 v9, v3;
	[tilespmem:s18+$0xFFFFFFF0] =	vst v4  }
0xc9: {  	[tilespmem:s18+$0xFFFFFF90] =	vst v5;
	v4 =	vadd.f32 v12, v3;
	v5 =	vld [tilespmem:s20+$0x70]  }
0xca: {  	[tilespmem:s18+$0xFFFFFFA0] =	vst v9;
	v9 =	vadd.f32 v10, v3;
	v12 =	vld [tilespmem:s20+$0x10]  }
0xcb: {  	v6 =	vadd.f32 v6, v3;
	v10 =	vld [tilespmem:s20+$0x20];
	[tilespmem:s18+$0xFFFFFFB0] =	vst v4  }
0xcc: {  	v4 =	vbroadcast v7, $0x4;
	[tilespmem:s18+$0xFFFFFFC0] =	vst v9;
	v13 =	vld [tilespmem:s20+$0x30];
	v8 =	vadd.f32 v8, v3  }
0xcd: {  	[tilespmem:s18+$0xFFFFFFD0] =	vst v6;
	v9 =	vadd.f32 v11, v3;
	v11 =	vld [tilespmem:s20+$0x40]  }
0xce: {  	v6 =	vld [tilespmem:s20+$0x50];
	[tilespmem:s18+$0xFFFFFFE0] =	vst v8;
	v5 =	vadd.f32 v5, v4  }
0xcf: {  	[tilespmem:s18+$0xFFFFFF80] =	vst v9;
	v8 =	vadd.f32 v12, v4;
	v9 =	vld [tilespmem:s20+$0x60]  }
0xd0: {  	v12 =	vld [tilespmem:s20+$0x0];
	v10 =	vadd.f32 v10, v4;
	[tilespmem:s18+$0x70] =	vst v5  }
0xd1: {  	[tilespmem:s18+$0x10] =	vst v8;
	v5 =	vadd.f32 v13, v4;
	v8 =	vld [tilespmem:s20+$0xF0]  }
0xd2: {  	[tilespmem:s18+$0x20] =	vst v10;
	v10 =	vadd.f32 v11, v4;
	v13 =	vld [tilespmem:s20+$0x90]  }
0xd3: {  	v6 =	vadd.f32 v6, v4;
	v11 =	vld [tilespmem:s20+$0xA0];
	[tilespmem:s18+$0x30] =	vst v5  }
0xd4: {  	v5 =	vbroadcast v7, $0x5;
	[tilespmem:s18+$0x40] =	vst v10;
	v14 =	vld [tilespmem:s20+$0xB0];
	v9 =	vadd.f32 v9, v4  }
0xd5: {  	[tilespmem:s18+$0x50] =	vst v6;
	v10 =	vadd.f32 v12, v4;
	v12 =	vld [tilespmem:s20+$0xC0]  }
0xd6: {  	v6 =	vld [tilespmem:s20+$0xD0];
	[tilespmem:s18+$0x60] =	vst v9;
	v8 =	vadd.f32 v8, v5  }
0xd7: {  	[tilespmem:s18+$0x0] =	vst v10;
	v9 =	vadd.f32 v13, v5;
	v10 =	vld [tilespmem:s20+$0xE0]  }
0xd8: {  	v13 =	vld [tilespmem:s20+$0x80];
	v11 =	vadd.f32 v11, v5;
	[tilespmem:s18+$0xF0] =	vst v8  }
0xd9: {  	[tilespmem:s18+$0x90] =	vst v9;
	v8 =	vadd.f32 v14, v5;
	v9 =	vld [tilespmem:s20+$0x170]  }
0xda: {  	[tilespmem:s18+$0xA0] =	vst v11;
	v11 =	vadd.f32 v12, v5;
	v14 =	vld [tilespmem:s20+$0x110]  }
0xdb: {  	v12 =	vld [tilespmem:s20+$0x120];
	[tilespmem:s18+$0xB0] =	vst v8;
	v8 =	vadd.f32 v6, v5  }
0xdc: {  	v6 =	vbroadcast v7, $0x6;
	[tilespmem:s18+$0xC0] =	vst v11;
	v15 =	vld [tilespmem:s20+$0x130];
	v10 =	vadd.f32 v10, v5  }
0xdd: {  	v11 =	vadd.f32 v13, v5;
	v13 =	vld [tilespmem:s20+$0x140];
	[tilespmem:s18+$0xD0] =	vst v8  }
0xde: {  	v8 =	vld [tilespmem:s20+$0x150];
	[tilespmem:s18+$0xE0] =	vst v10;
	v9 =	vadd.f32 v9, v6  }
0xdf: {  	[tilespmem:s18+$0x80] =	vst v11;
	v10 =	vadd.f32 v14, v6;
	v11 =	vld [tilespmem:s20+$0x160]  }
0xe0: {  	v14 =	vld [tilespmem:s20+$0x100];
	v12 =	vadd.f32 v12, v6;
	[tilespmem:s18+$0x170] =	vst v9  }
0xe1: {  	[tilespmem:s18+$0x110] =	vst v10;
	v9 =	vadd.f32 v15, v6;
	v15 =	vld [tilespmem:s20+$0x1F0]  }
0xe2: {  	[tilespmem:s18+$0x120] =	vst v12;
	v10 =	vadd.f32 v13, v6;
	v16 =	vld [tilespmem:s20+$0x190]  }
0xe3: {  	v13 =	vld [tilespmem:s20+$0x1A0];
	[tilespmem:s18+$0x130] =	vst v9;
	v9 =	vadd.f32 v8, v6  }
0xe4: {  	v7 =	vbroadcast v7, $0x7;
	[tilespmem:s18+$0x140] =	vst v10;
	v8 =	vld [tilespmem:s20+$0x1B0];
	v11 =	vadd.f32 v11, v6  }
0xe5: {  	v12 =	vadd.f32 v14, v6;
	v10 =	vld [tilespmem:s20+$0x1C0];
	[tilespmem:s18+$0x150] =	vst v9  }
0xe6: {  	v9 =	vld [tilespmem:s20+$0x1D0];
	[tilespmem:s18+$0x160] =	vst v11;
	v15 =	vadd.f32 v15, v7  }
0xe7: {  	[tilespmem:s18+$0x100] =	vst v12;
	v11 =	vld [tilespmem:s20+$0x1E0];
	v14 =	vadd.f32 v16, v7  }
0xe8: {  	s19 =	simm.s32 $0x0;
	v12 =	vld [tilespmem:s20+$0x180];
	v13 =	vadd.f32 v13, v7;
	s20 =	simm.s32 $0x600;
	[tilespmem:s18+$0x1F0] =	vst v15  }
.LBB2_5:
0xe9: {  	v15 =	vld [tilespmem:s20+$0xFFFFFE70];
	s19 =	sadd.s32 $0x8, s19;
	[tilespmem:s18+$0x190] =	vst v14;
	v8 =	vadd.f32 v8, v7  }
0xea: {  	v14 =	vld [tilespmem:s20+$0xFFFFFE10];
	p0 =	slt.u32 s19, $0xF8;
	[tilespmem:s18+$0x1A0] =	vst v13;
	v10 =	vadd.f32 v10, v7  }
0xeb: {  	v13 =	vld [tilespmem:s20+$0xFFFFFE20];
	[tilespmem:s18+$0x1B0] =	vst v8;
	v8 =	vadd.f32 v9, v7  }
0xec: {  	v9 =	vld [tilespmem:s20+$0xFFFFFE30];
	[tilespmem:s18+$0x1C0] =	vst v10;
	v10 =	vadd.f32 v11, v7  }
0xed: {  	v11 =	vld [tilespmem:s20+$0xFFFFFE40];
	v12 =	vadd.f32 v12, v7;
	[tilespmem:s18+$0x1D0] =	vst v8  }
0xee: {  	v8 =	vld [tilespmem:s20+$0xFFFFFE50];
	v15 =	vadd.f32 v15, v0;
	[tilespmem:s18+$0x1E0] =	vst v10  }
0xef: {  	v10 =	vadd.f32 v14, v0;
	v14 =	vld [tilespmem:s20+$0xFFFFFE60];
	[tilespmem:s18+$0x180] =	vst v12;
	s18 =	sadd.s32 $0x400, s18  }
0xf0: {  	v12 =	vld [tilespmem:s20+$0xFFFFFE00];
	v13 =	vadd.f32 v13, v0;
	[tilespmem:s18+$0xFFFFFE70] =	vst v15  }
0xf1: {  	[tilespmem:s18+$0xFFFFFE10] =	vst v10;
	v9 =	vadd.f32 v9, v0;
	v10 =	vld [tilespmem:s20+$0xFFFFFEF0]  }
0xf2: {  	v15 =	vld [tilespmem:s20+$0xFFFFFE90];
	[tilespmem:s18+$0xFFFFFE20] =	vst v13;
	v11 =	vadd.f32 v11, v0  }
0xf3: {  	v13 =	vld [tilespmem:s20+$0xFFFFFEA0];
	[tilespmem:s18+$0xFFFFFE30] =	vst v9;
	v8 =	vadd.f32 v8, v0  }
0xf4: {  	v9 =	vld [tilespmem:s20+$0xFFFFFEB0];
	[tilespmem:s18+$0xFFFFFE40] =	vst v11;
	v11 =	vadd.f32 v14, v0  }
0xf5: {  	v12 =	vadd.f32 v12, v0;
	v14 =	vld [tilespmem:s20+$0xFFFFFEC0];
	[tilespmem:s18+$0xFFFFFE50] =	vst v8  }
0xf6: {  	v8 =	vld [tilespmem:s20+$0xFFFFFED0];
	[tilespmem:s18+$0xFFFFFE60] =	vst v11;
	v10 =	vadd.f32 v10, v1  }
0xf7: {  	[tilespmem:s18+$0xFFFFFE00] =	vst v12;
	v11 =	vadd.f32 v15, v1;
	v12 =	vld [tilespmem:s20+$0xFFFFFEE0]  }
0xf8: {  	v15 =	vld [tilespmem:s20+$0xFFFFFE80];
	v13 =	vadd.f32 v13, v1;
	[tilespmem:s18+$0xFFFFFEF0] =	vst v10  }
0xf9: {  	[tilespmem:s18+$0xFFFFFE90] =	vst v11;
	v9 =	vadd.f32 v9, v1;
	v10 =	vld [tilespmem:s20+$0xFFFFFF70]  }
0xfa: {  	v11 =	vld [tilespmem:s20+$0xFFFFFF10];
	[tilespmem:s18+$0xFFFFFEA0] =	vst v13;
	v13 =	vadd.f32 v14, v1  }
0xfb: {  	v14 =	vld [tilespmem:s20+$0xFFFFFF20];
	[tilespmem:s18+$0xFFFFFEB0] =	vst v9;
	v8 =	vadd.f32 v8, v1  }
0xfc: {  	v9 =	vld [tilespmem:s20+$0xFFFFFF30];
	[tilespmem:s18+$0xFFFFFEC0] =	vst v13;
	v12 =	vadd.f32 v12, v1  }
0xfd: {  	v13 =	vadd.f32 v15, v1;
	v15 =	vld [tilespmem:s20+$0xFFFFFF40];
	[tilespmem:s18+$0xFFFFFED0] =	vst v8  }
0xfe: {  	v8 =	vld [tilespmem:s20+$0xFFFFFF50];
	[tilespmem:s18+$0xFFFFFEE0] =	vst v12;
	v10 =	vadd.f32 v10, v2  }
0xff: {  	[tilespmem:s18+$0xFFFFFE80] =	vst v13;
	v11 =	vadd.f32 v11, v2;
	v12 =	vld [tilespmem:s20+$0xFFFFFF60]  }
0x100: {  	v13 =	vld [tilespmem:s20+$0xFFFFFF00];
	v14 =	vadd.f32 v14, v2;
	[tilespmem:s18+$0xFFFFFF70] =	vst v10  }
0x101: {  	[tilespmem:s18+$0xFFFFFF10] =	vst v11;
	v9 =	vadd.f32 v9, v2;
	v10 =	vld [tilespmem:s20+$0xFFFFFFF0]  }
0x102: {  	v11 =	vld [tilespmem:s20+$0xFFFFFF90];
	[tilespmem:s18+$0xFFFFFF20] =	vst v14;
	v14 =	vadd.f32 v15, v2  }
0x103: {  	v15 =	vld [tilespmem:s20+$0xFFFFFFA0];
	[tilespmem:s18+$0xFFFFFF30] =	vst v9;
	v8 =	vadd.f32 v8, v2  }
0x104: {  	v9 =	vld [tilespmem:s20+$0xFFFFFFB0];
	[tilespmem:s18+$0xFFFFFF40] =	vst v14;
	v12 =	vadd.f32 v12, v2  }
0x105: {  	v13 =	vadd.f32 v13, v2;
	v14 =	vld [tilespmem:s20+$0xFFFFFFC0];
	[tilespmem:s18+$0xFFFFFF50] =	vst v8  }
0x106: {  	v8 =	vld [tilespmem:s20+$0xFFFFFFD0];
	[tilespmem:s18+$0xFFFFFF60] =	vst v12;
	v10 =	vadd.f32 v10, v3  }
0x107: {  	[tilespmem:s18+$0xFFFFFF00] =	vst v13;
	v11 =	vadd.f32 v11, v3;
	v12 =	vld [tilespmem:s20+$0xFFFFFFE0]  }
0x108: {  	v13 =	vld [tilespmem:s20+$0xFFFFFF80];
	v15 =	vadd.f32 v15, v3;
	[tilespmem:s18+$0xFFFFFFF0] =	vst v10  }
0x109: {  	[tilespmem:s18+$0xFFFFFF90] =	vst v11;
	v9 =	vadd.f32 v9, v3;
	v10 =	vld [tilespmem:s20+$0x70]  }
0x10a: {  	v11 =	vld [tilespmem:s20+$0x10];
	[tilespmem:s18+$0xFFFFFFA0] =	vst v15;
	v14 =	vadd.f32 v14, v3  }
0x10b: {  	v15 =	vld [tilespmem:s20+$0x20];
	[tilespmem:s18+$0xFFFFFFB0] =	vst v9;
	v8 =	vadd.f32 v8, v3  }
0x10c: {  	v9 =	vld [tilespmem:s20+$0x30];
	[tilespmem:s18+$0xFFFFFFC0] =	vst v14;
	v12 =	vadd.f32 v12, v3  }
0x10d: {  	v13 =	vadd.f32 v13, v3;
	v14 =	vld [tilespmem:s20+$0x40];
	[tilespmem:s18+$0xFFFFFFD0] =	vst v8  }
0x10e: {  	v8 =	vld [tilespmem:s20+$0x50];
	[tilespmem:s18+$0xFFFFFFE0] =	vst v12;
	v10 =	vadd.f32 v10, v4  }
0x10f: {  	[tilespmem:s18+$0xFFFFFF80] =	vst v13;
	v11 =	vadd.f32 v11, v4;
	v12 =	vld [tilespmem:s20+$0x60]  }
0x110: {  	v13 =	vld [tilespmem:s20+$0x0];
	v15 =	vadd.f32 v15, v4;
	[tilespmem:s18+$0x70] =	vst v10  }
0x111: {  	[tilespmem:s18+$0x10] =	vst v11;
	v9 =	vadd.f32 v9, v4;
	v10 =	vld [tilespmem:s20+$0xF0]  }
0x112: {  	v11 =	vld [tilespmem:s20+$0x90];
	[tilespmem:s18+$0x20] =	vst v15;
	v14 =	vadd.f32 v14, v4  }
0x113: {  	v15 =	vld [tilespmem:s20+$0xA0];
	[tilespmem:s18+$0x30] =	vst v9;
	v8 =	vadd.f32 v8, v4  }
0x114: {  	v9 =	vld [tilespmem:s20+$0xB0];
	[tilespmem:s18+$0x40] =	vst v14;
	v12 =	vadd.f32 v12, v4  }
0x115: {  	v13 =	vadd.f32 v13, v4;
	v14 =	vld [tilespmem:s20+$0xC0];
	[tilespmem:s18+$0x50] =	vst v8  }
0x116: {  	v8 =	vld [tilespmem:s20+$0xD0];
	[tilespmem:s18+$0x60] =	vst v12;
	v10 =	vadd.f32 v10, v5  }
0x117: {  	[tilespmem:s18+$0x0] =	vst v13;
	v11 =	vadd.f32 v11, v5;
	v12 =	vld [tilespmem:s20+$0xE0]  }
0x118: {  	v13 =	vld [tilespmem:s20+$0x80];
	v15 =	vadd.f32 v15, v5;
	[tilespmem:s18+$0xF0] =	vst v10  }
0x119: {  	[tilespmem:s18+$0x90] =	vst v11;
	v9 =	vadd.f32 v9, v5;
	v10 =	vld [tilespmem:s20+$0x170]  }
0x11a: {  	v11 =	vld [tilespmem:s20+$0x110];
	[tilespmem:s18+$0xA0] =	vst v15;
	v14 =	vadd.f32 v14, v5  }
0x11b: {  	v15 =	vld [tilespmem:s20+$0x120];
	[tilespmem:s18+$0xB0] =	vst v9;
	v8 =	vadd.f32 v8, v5  }
0x11c: {  	v9 =	vld [tilespmem:s20+$0x130];
	[tilespmem:s18+$0xC0] =	vst v14;
	v12 =	vadd.f32 v12, v5  }
0x11d: {  	v13 =	vadd.f32 v13, v5;
	v14 =	vld [tilespmem:s20+$0x140];
	[tilespmem:s18+$0xD0] =	vst v8  }
0x11e: {  	v8 =	vld [tilespmem:s20+$0x150];
	[tilespmem:s18+$0xE0] =	vst v12;
	v10 =	vadd.f32 v10, v6  }
0x11f: {  	[tilespmem:s18+$0x80] =	vst v13;
	v11 =	vadd.f32 v11, v6;
	v12 =	vld [tilespmem:s20+$0x160]  }
0x120: {  	v13 =	vld [tilespmem:s20+$0x100];
	v15 =	vadd.f32 v15, v6;
	[tilespmem:s18+$0x170] =	vst v10  }
0x121: {  	[tilespmem:s18+$0x110] =	vst v11;
	v9 =	vadd.f32 v9, v6;
	v11 =	vld [tilespmem:s20+$0x1F0]  }
0x122: {  	v16 =	vld [tilespmem:s20+$0x190];
	[tilespmem:s18+$0x120] =	vst v15;
	v10 =	vadd.f32 v14, v6  }
0x123: {  	v15 =	vld [tilespmem:s20+$0x1A0];
	[tilespmem:s18+$0x130] =	vst v9;
	v9 =	vadd.f32 v8, v6  }
.Ltmp1:
0x124: {  	v8 =	vld [tilespmem:s20+$0x1B0];
	[tilespmem:s18+$0x140] =	vst v10;
	v12 =	vadd.f32 v12, v6;
	(pc) =	sbr.rel @p0 .LBB2_5-.Ltmp1, $4  }
0x125: {  	v13 =	vadd.f32 v13, v6;
	v10 =	vld [tilespmem:s20+$0x1C0];
	[tilespmem:s18+$0x150] =	vst v9  }
0x126: {  	v9 =	vld [tilespmem:s20+$0x1D0];
	[tilespmem:s18+$0x160] =	vst v12;
	v17 =	vadd.f32 v11, v7  }
0x127: {  	[tilespmem:s18+$0x100] =	vst v13;
	v14 =	vadd.f32 v16, v7;
	v11 =	vld [tilespmem:s20+$0x1E0]  }
0x128: {  	v12 =	vld [tilespmem:s20+$0x180];
	v13 =	vadd.f32 v15, v7;
	[tilespmem:s18+$0x1F0] =	vst v17;
	s20 =	sadd.s32 $0x400, s20  }
0x129: {  	[tilespmem:s18+$0x190] =	vst v14;
	v0 =	vadd.f32 v8, v7  }
0x12a: {  	s16 =	sadd.s32 $0x1, s16;
	[tilespmem:s18+$0x1A0] =	vst v13;
	v1 =	vadd.f32 v10, v7  }
0x12b: {  	p0 =	sne.s32 s16, $0x19;
	[tilespmem:s18+$0x1B0] =	vst v0;
	v62 =	vadd.f32 v9, v7  }
.Ltmp2:
0x12c: {  	s17 =	sshll.u32 s17, $0x12;
	[tilespmem:s18+$0x1C0] =	vst v1;
	v63 =	vadd.f32 v11, v7;
	(pc) =	sbr.rel @p0 .LBB2_2-.Ltmp2, $4  }
0x12d: {  	s17 =	sor.u32 s5, s17;
	v2 =	vadd.f32 v12, v7;
	[tilespmem:s18+$0x1D0] =	vst v62  }
0x12e: {  	s17 =	sshrl.u32 s17, $0x3;
	[tilespmem:s18+$0x1E0] =	vst v63  }
0x12f: {  	s17 =	sadd.s32 s2, s17;
	[tilespmem:s18+$0x180] =	vst v2  }
0x130: {  	[hbm4b:s17+s3] =	stream.linear.scatter [tilespmem:s12], [sflag:$0x2], $0x8000, $0x38;
	[tilespmem:$0x1E400] =	vst v63  }
0x131: {  	s15 =	sadd.s32 $0x1, s15  }
0x132: {  	_ =	swait.ge [sflag:s13], $0x8000;
	p0 =	sne.s32 s15, s8  }
.Ltmp3:
0x133: {  	[sflag:s13] =	ssyncset.done $0x0;
	(pc) =	sbr.rel @p0 .LBB2_1-.Ltmp3, $4  }
0x134: {  	[sflag:s13] =	ssyncadd.s32 $0xFFFF8000  }
0x135: {  	_ =	swait.ge [sflag:s14], $0x8000  }
0x136: {  	[sflag:s14] =	ssyncset.done $0x0  }
0x137: {  	[sflag:s14] =	ssyncadd.s32 $0xFFFF8000  }
0x138: {  	_ =	sfence.sel $0x180000  }
0x139: {  	[bflag:$0x0] =	sbarrier.arrive $0xFFFF  }
0x13a: {  	p0 =	sne.s32 s0, $0x0;
	_ =	strace $0x90000047  }
0x13b: {  	s0 =	sadd.s32 @!p0 $0x100000, s1;
	[bflag:$0x2] =	sbarrier.arrive $0xFFFF  }
0x13c: {  	[sflag:s0] =	ssyncadd.tile.s32 @!p0 $0x1;
	_ =	shalt  }
.Lfunc_end2:
_tile_overlayer_lowered:
.L_overlay_start_2:
0x13d: {  	(tag) =	ssettag $0x2  }
0x13e: {  	s0 =	rddreg [dreg:$0x0];
	s2 =	stileid.u32  }
0x13f: {  	s1 =	rddreg [dreg:$0x1];
	p0 =	sne.s32 s2, $0x0  }
0x140: {  	s3 =	rddreg [dreg:$0x2];
	[bflag:$0x3] =	sbarrier.arrive $0xFFFF;
	s2 =	simm.s32 @!p0 $0x1C03  }
0x141: {  	[timem:s3], [sflag:s2] =	dma.local @!p0 [hbm:s0], s1  }
0x142: {  	s0 =	simm.s32 @!p0 $0x3  }
0x143: {  	_ =	swait.ge @!p0 [sflag:s0], s1  }
0x144: {  	s1 =	ssub.s32 @!p0 $0x0, s1;
	[sflag:s0] =	ssyncset.done @!p0 $0x0  }
0x145: {  	[sflag:s0] =	ssyncadd.s32 @!p0 s1  }
0x146: {  	[bflag:$0x3] =	sbarrier.arrive $0xFFFF  }
0x147: {  	_ =	shalt  }

</sc_bundles>
